<compile_context>
chip_gen: v7x
topology: tpu7x:2x2x1
jax: 0.10.2.dev20260603
libtpu: 0.0.44.dev20260713+nightly
codegen_flags: <defaults>
</compile_context>

<pallas_src>
import functools

import jax
import jax.numpy as jnp
from jax import lax
from jax.experimental import pallas as pl
from jax.experimental.pallas import tpu as pltpu
from jax.experimental.pallas import tpu_sc as plsc

N = 10000
E = 320000
D = 128

NC = 2
NS = 16
NW = NC * NS
EPW = E // NW
C = 80
NCHUNK = EPW // C
NPAD = 10240
RPT = NPAD // NS
ZC = 80
DW = 8


def _sc_body(dst_hbm, src_hbm, x_hbm, cst_hbm, agg_out, deg_out,
             dst_v, src_v, rows0_v, rows1_v, ones_v, agg_sh, deg_sh,
             gsem0, gsem1):
    cid = lax.axis_index("c")
    sid = lax.axis_index("s")
    wid = cid * NS + sid

    pltpu.sync_copy(dst_hbm.at[wid], dst_v)
    pltpu.sync_copy(src_hbm.at[wid], src_v)

    def _gather(j, buf, sem):
        pltpu.async_copy(x_hbm.at[src_v.at[j]], buf, sem)

    def _drain(j, buf, sem):
        pltpu.make_async_copy(x_hbm.at[src_v.at[j]], buf, sem).wait()

    def _fill(ref, rows, width, val):
        v = jnp.full((16,), val, jnp.float32)

        def body(i, carry):
            for k in range(width // 16):
                ref[i, pl.ds(k * 16, 16)] = v
            return carry

        lax.fori_loop(0, rows, body, 0)

    _fill(rows0_v, C, D, 0.0)
    pltpu.sync_copy(cst_hbm.at[0], ones_v)

    def zbody(i, carry):
        base = sid * RPT + i * ZC
        pltpu.sync_copy(rows0_v, agg_sh.at[pl.ds(base, ZC)])
        pltpu.sync_copy(ones_v, deg_sh.at[pl.ds(base, ZC)])
        return carry

    lax.fori_loop(0, RPT // ZC, zbody, 0)
    pltpu.sync_copy(cst_hbm.at[1], ones_v)
    _gather(0, rows1_v, gsem1)
    plsc.subcore_barrier()

    def _scatter(j, buf):
        pltpu.sync_copy(buf, agg_sh.at[dst_v.at[j]], add=True)
        pltpu.sync_copy(ones_v, deg_sh.at[dst_v.at[j]], add=True)

    def pbody(t, carry):
        j0 = 2 * t
        _gather(j0 + 1, rows0_v, gsem0)
        _drain(j0, rows1_v, gsem1)
        _scatter(j0, rows1_v)
        _gather(j0 + 2, rows1_v, gsem1)
        _drain(j0 + 1, rows0_v, gsem0)
        _scatter(j0 + 1, rows0_v)
        return carry

    lax.fori_loop(0, (NCHUNK - 1) // 2, pbody, 0)
    _drain(NCHUNK - 1, rows1_v, gsem1)
    _scatter(NCHUNK - 1, rows1_v)
    plsc.subcore_barrier()

    base = sid * RPT
    pltpu.sync_copy(agg_sh.at[pl.ds(base, RPT)],
                    agg_out.at[cid, pl.ds(base, RPT)])
    pltpu.sync_copy(deg_sh.at[pl.ds(base, RPT)],
                    deg_out.at[cid, pl.ds(base, RPT)])


_sc_aggregate = functools.partial(
    pl.kernel,
    out_type=[
        jax.ShapeDtypeStruct((NC, NPAD, D), jnp.float32),
        jax.ShapeDtypeStruct((NC, NPAD, DW), jnp.float32),
    ],
    mesh=plsc.VectorSubcoreMesh(core_axis_name="c", subcore_axis_name="s",
                                num_cores=NC, num_subcores=NS),
    scratch_types=[
        pltpu.VMEM((NCHUNK, C), jnp.int32),
        pltpu.VMEM((NCHUNK, C), jnp.int32),
        pltpu.VMEM((C, D), jnp.float32),
        pltpu.VMEM((C, D), jnp.float32),
        pltpu.VMEM((C, DW), jnp.float32),
        pltpu.VMEM_SHARED((NPAD, D), jnp.float32),
        pltpu.VMEM_SHARED((NPAD, DW), jnp.float32),
        pltpu.SemaphoreType.DMA,
        pltpu.SemaphoreType.DMA,
    ],
    compiler_params=pltpu.CompilerParams(use_tc_tiling_on_sc=False),
)(_sc_body)


def _tc_body(agg_ref, deg_ref, w_ref, b_ref, out_ref):
    a = agg_ref[0] + agg_ref[1]
    d = deg_ref[0] + deg_ref[1]
    dinv = 1.0 / d[:, 0:1]
    m = a * dinv
    out_ref[...] = lax.dot_general(
        m, w_ref[...], (((1,), (1,)), ((), ())),
        preferred_element_type=jnp.float32) + b_ref[...]


def _tc_finalize(aggp, degp, W, b2):
    B = 1000
    grid = (N // B,)
    return pl.pallas_call(
        _tc_body,
        grid=grid,
        in_specs=[
            pl.BlockSpec((NC, B, D), lambda i: (0, i, 0)),
            pl.BlockSpec((NC, B, DW), lambda i: (0, i, 0)),
            pl.BlockSpec((D, D), lambda i: (0, 0)),
            pl.BlockSpec((1, D), lambda i: (0, 0)),
        ],
        out_specs=pl.BlockSpec((B, D), lambda i: (i, 0)),
        out_shape=jax.ShapeDtypeStruct((N, D), jnp.float32),
    )(aggp, degp, W, b2)


def kernel(x, edge_index, W, b):
    dst = edge_index[0].reshape(NW, NCHUNK, C)
    src = edge_index[1].reshape(NW, NCHUNK, C)
    cst = jnp.stack([jnp.zeros((C, DW), jnp.float32),
                     jnp.ones((C, DW), jnp.float32)])
    aggp, degp = _sc_aggregate(dst, src, x, cst)
    return _tc_finalize(aggp, degp, W, b.reshape(1, D))

# --- scband reference (transcript-rebuilt; emitter-appended) ---
"""Pipeline reference for scband-mean-aggregator-41214506173068 (READ-ONLY COPY).

The authoritative reference and input builder live on the scoring server;
editing this copy changes nothing except your own understanding.
"""

import jax, jax.numpy as jnp
import numpy as np

N = 10000
E = 320000
D_IN = 128
D_OUT = 128


def setup_inputs(seed: int = 0) -> dict:
    key = jax.random.key(seed)
    k1, k2, k3, k4 = jax.random.split(key, 4)
    x = jax.random.normal(k1, (N, D_IN), dtype=jnp.float32)
    edge_index = jax.random.randint(k2, (2, E), 0, N, dtype=jnp.int32)
    # nn.Linear(in_channels, out_channels, bias=True) parameters
    bound = 1.0 / np.sqrt(D_IN)
    W = jax.random.uniform(k3, (D_OUT, D_IN), dtype=jnp.float32, minval=-bound, maxval=bound)
    b = jax.random.uniform(k4, (D_OUT,), dtype=jnp.float32, minval=-bound, maxval=bound)
    return {"x": x, "edge_index": edge_index, "W": W, "b": b}


def reference(x, edge_index, W, b):
    # x = self.linear(x)
    h = jnp.dot(x, W.T) + b
    # norm(): adjacency is sparse [N, N] with row=dst, col=src.
    # deg = torch.sparse.sum(adj, 1)  -> per-dst-row edge count (edge weights are 1)
    # x = adj @ h                     -> scatter-add of h[src] into dst rows
    # x = (x.T * deg^-1).T            -> divide each row by its degree (mean)
    dst = edge_index[0]
    src = edge_index[1]
    msgs = jnp.take(h, src, axis=0)
    agg = jax.ops.segment_sum(msgs, dst, num_segments=N)
    deg = jax.ops.segment_sum(jnp.ones((E,), dtype=jnp.float32), dst, num_segments=N)
    deg_inv = 1.0 / deg  # faithful to deg.pow(-1): isolated nodes yield inf
    return agg * deg_inv[:, None]

if __name__ == "__main__":
    import jax
    _d = setup_inputs()
    print(jax.jit(kernel)(*tuple(_d.values())))

</pallas_src>

<mosaic_0001>
#map = affine_map<(d0, d1) -> (0, 0, 0)>
#map1 = affine_map<(d0, d1) -> (0, 0)>
module attributes {stable_mosaic.version = 14 : i64} {
  func.func @_sc_body(%arg0: i32, %arg1: i32, %arg2: memref<32x125x80xi32, #tpu.memory_space<hbm>>, %arg3: memref<32x125x80xi32, #tpu.memory_space<hbm>>, %arg4: memref<10000x128xf32, #tpu.memory_space<hbm>>, %arg5: memref<2x80x8xf32, #tpu.memory_space<hbm>>, %arg6: memref<2x10240x128xf32, #tpu.memory_space<hbm>>, %arg7: memref<2x10240x8xf32, #tpu.memory_space<hbm>>, %arg8: memref<125x80xi32, #tpu.memory_space<vmem>>, %arg9: memref<125x80xi32, #tpu.memory_space<vmem>>, %arg10: memref<80x128xf32, #tpu.memory_space<vmem>>, %arg11: memref<80x128xf32, #tpu.memory_space<vmem>>, %arg12: memref<80x8xf32, #tpu.memory_space<vmem>>, %arg13: memref<10240x128xf32, #tpu.memory_space<vmem_shared>>, %arg14: memref<10240x8xf32, #tpu.memory_space<vmem_shared>>, %arg15: memref<!tpu.dma_semaphore, #tpu.memory_space<semaphore_mem>>, %arg16: memref<!tpu.dma_semaphore, #tpu.memory_space<semaphore_mem>>) attributes {dimension_semantics = [#tpu.dimension_semantics<core_parallel>, #tpu.dimension_semantics<subcore_parallel>], iteration_bounds = array<i64: 2, 16>, scalar_prefetch = 0 : i64, scratch_operands = 9 : i64, tpu.core_type = #tpu.core_type<sc_vector_subcore>, window_params = [{transform_indices = #map}, {transform_indices = #map}, {transform_indices = #map1}, {transform_indices = #map}, {transform_indices = #map}, {transform_indices = #map}]} {
    %mul3A = arith.constant 16 : i32
    %mul3A_0 = arith.muli %arg0, %mul3A : i32
    %add3A = arith.addi %mul3A_0, %arg1 : i32
    "tpu.region"() ({
      %run_scoped3A_37 = tpu.sem_alloc : memref<!tpu.dma_semaphore, #tpu.memory_space<semaphore_mem>>
      %dma_start3A_38 = arith.constant 0 : i32
      %dma_start3A_39 = arith.constant 0 : i32
      %dma_start3A_40 = tpu.memref_slice %arg2[%add3A, %dma_start3A_38, %dma_start3A_39] : memref<32x125x80xi32, #tpu.memory_space<hbm>> -> memref<1x125x80xi32, #tpu.memory_space<hbm>>
      %dma_start3A_41 = tpu.memref_squeeze %dma_start3A_40 : memref<1x125x80xi32, #tpu.memory_space<hbm>> -> memref<125x80xi32, #tpu.memory_space<hbm>>
      %dma_start3A_42 = arith.constant 0 : i32
      %dma_start3A_43 = arith.constant 0 : i32
      %dma_start3A_44 = tpu.memref_slice %arg2[%add3A, %dma_start3A_42, %dma_start3A_43] : memref<32x125x80xi32, #tpu.memory_space<hbm>> -> memref<1x125x80xi32, #tpu.memory_space<hbm>>
      %dma_start3A_45 = tpu.memref_squeeze %dma_start3A_44 : memref<1x125x80xi32, #tpu.memory_space<hbm>> -> memref<125x80xi32, #tpu.memory_space<hbm>>
      tpu.enqueue_dma source(%dma_start3A_45 : memref<125x80xi32, #tpu.memory_space<hbm>>) target(%arg8 : memref<125x80xi32, #tpu.memory_space<vmem>>) target_semaphore(%run_scoped3A_37 : memref<!tpu.dma_semaphore, #tpu.memory_space<semaphore_mem>>)
      %dma_wait3A_46 = arith.constant 0 : i32
      %dma_wait3A_47 = arith.constant 0 : i32
      %dma_wait3A_48 = tpu.memref_slice %arg2[%add3A, %dma_wait3A_46, %dma_wait3A_47] : memref<32x125x80xi32, #tpu.memory_space<hbm>> -> memref<1x125x80xi32, #tpu.memory_space<hbm>>
      %dma_wait3A_49 = tpu.memref_squeeze %dma_wait3A_48 : memref<1x125x80xi32, #tpu.memory_space<hbm>> -> memref<125x80xi32, #tpu.memory_space<hbm>>
      %dma_wait3A_50 = arith.constant 0 : i32
      %dma_wait3A_51 = arith.constant 0 : i32
      %dma_wait3A_52 = tpu.memref_slice %arg2[%add3A, %dma_wait3A_50, %dma_wait3A_51] : memref<32x125x80xi32, #tpu.memory_space<hbm>> -> memref<1x125x80xi32, #tpu.memory_space<hbm>>
      %dma_wait3A_53 = tpu.memref_squeeze %dma_wait3A_52 : memref<1x125x80xi32, #tpu.memory_space<hbm>> -> memref<125x80xi32, #tpu.memory_space<hbm>>
      tpu.wait_dma2 semaphore(%run_scoped3A_37 : memref<!tpu.dma_semaphore, #tpu.memory_space<semaphore_mem>>) src(%dma_wait3A_53 : memref<125x80xi32, #tpu.memory_space<hbm>>) dst(%arg8 : memref<125x80xi32, #tpu.memory_space<vmem>>)
      tpu.yield
    }) : () -> ()
    "tpu.region"() ({
      %run_scoped3A_37 = tpu.sem_alloc : memref<!tpu.dma_semaphore, #tpu.memory_space<semaphore_mem>>
      %dma_start3A_38 = arith.constant 0 : i32
      %dma_start3A_39 = arith.constant 0 : i32
      %dma_start3A_40 = tpu.memref_slice %arg3[%add3A, %dma_start3A_38, %dma_start3A_39] : memref<32x125x80xi32, #tpu.memory_space<hbm>> -> memref<1x125x80xi32, #tpu.memory_space<hbm>>
      %dma_start3A_41 = tpu.memref_squeeze %dma_start3A_40 : memref<1x125x80xi32, #tpu.memory_space<hbm>> -> memref<125x80xi32, #tpu.memory_space<hbm>>
      %dma_start3A_42 = arith.constant 0 : i32
      %dma_start3A_43 = arith.constant 0 : i32
      %dma_start3A_44 = tpu.memref_slice %arg3[%add3A, %dma_start3A_42, %dma_start3A_43] : memref<32x125x80xi32, #tpu.memory_space<hbm>> -> memref<1x125x80xi32, #tpu.memory_space<hbm>>
      %dma_start3A_45 = tpu.memref_squeeze %dma_start3A_44 : memref<1x125x80xi32, #tpu.memory_space<hbm>> -> memref<125x80xi32, #tpu.memory_space<hbm>>
      tpu.enqueue_dma source(%dma_start3A_45 : memref<125x80xi32, #tpu.memory_space<hbm>>) target(%arg9 : memref<125x80xi32, #tpu.memory_space<vmem>>) target_semaphore(%run_scoped3A_37 : memref<!tpu.dma_semaphore, #tpu.memory_space<semaphore_mem>>)
      %dma_wait3A_46 = arith.constant 0 : i32
      %dma_wait3A_47 = arith.constant 0 : i32
      %dma_wait3A_48 = tpu.memref_slice %arg3[%add3A, %dma_wait3A_46, %dma_wait3A_47] : memref<32x125x80xi32, #tpu.memory_space<hbm>> -> memref<1x125x80xi32, #tpu.memory_space<hbm>>
      %dma_wait3A_49 = tpu.memref_squeeze %dma_wait3A_48 : memref<1x125x80xi32, #tpu.memory_space<hbm>> -> memref<125x80xi32, #tpu.memory_space<hbm>>
      %dma_wait3A_50 = arith.constant 0 : i32
      %dma_wait3A_51 = arith.constant 0 : i32
      %dma_wait3A_52 = tpu.memref_slice %arg3[%add3A, %dma_wait3A_50, %dma_wait3A_51] : memref<32x125x80xi32, #tpu.memory_space<hbm>> -> memref<1x125x80xi32, #tpu.memory_space<hbm>>
      %dma_wait3A_53 = tpu.memref_squeeze %dma_wait3A_52 : memref<1x125x80xi32, #tpu.memory_space<hbm>> -> memref<125x80xi32, #tpu.memory_space<hbm>>
      tpu.wait_dma2 semaphore(%run_scoped3A_37 : memref<!tpu.dma_semaphore, #tpu.memory_space<semaphore_mem>>) src(%dma_wait3A_53 : memref<125x80xi32, #tpu.memory_space<hbm>>) dst(%arg9 : memref<125x80xi32, #tpu.memory_space<vmem>>)
      tpu.yield
    }) : () -> ()
    %broadcast_in_dim3A = arith.constant 0.000000e+00 : f32
    %broadcast_in_dim3A_1 = vector.broadcast %broadcast_in_dim3A : f32 to vector<16xf32>
    %scan3A = arith.constant 0 : i32
    %scan3A_2 = arith.constant 0 : i32
    %scan3A_3 = arith.constant 80 : i32
    %scan3A_4 = arith.addi %scan3A_2, %scan3A_3 : i32
    %scan3A_5 = arith.constant 1 : i32
    scf.for %scan3A_37 = %scan3A_2 to %scan3A_4 step %scan3A_5  : i32 {
      %swap3A = arith.index_cast %scan3A_37 : i32 to index
      %swap3A_38 = arith.constant 0 : index
      %swap3A_39 = tpu.vector_load %arg10[%swap3A, %swap3A_38] {strides = array<i32>} : memref<80x128xf32, #tpu.memory_space<vmem>>, vector<1x16xf32>,
      %swap3A_40 = vector.shape_cast %swap3A_39 : vector<1x16xf32> to vector<16xf32>
      %swap3A_41 = vector.shape_cast %broadcast_in_dim3A_1 : vector<16xf32> to vector<1x16xf32>
      tpu.vector_store %arg10[%swap3A, %swap3A_38], %swap3A_41 {strides = array<i32>} : memref<80x128xf32, #tpu.memory_space<vmem>>, vector<1x16xf32>,
      %swap3A_42 = arith.index_cast %scan3A_37 : i32 to index
      %swap3A_43 = arith.constant 16 : index
      %swap3A_44 = tpu.vector_load %arg10[%swap3A_42, %swap3A_43] {strides = array<i32>} : memref<80x128xf32, #tpu.memory_space<vmem>>, vector<1x16xf32>,
      %swap3A_45 = vector.shape_cast %swap3A_44 : vector<1x16xf32> to vector<16xf32>
      %swap3A_46 = vector.shape_cast %broadcast_in_dim3A_1 : vector<16xf32> to vector<1x16xf32>
      tpu.vector_store %arg10[%swap3A_42, %swap3A_43], %swap3A_46 {strides = array<i32>} : memref<80x128xf32, #tpu.memory_space<vmem>>, vector<1x16xf32>,
      %swap3A_47 = arith.index_cast %scan3A_37 : i32 to index
      %swap3A_48 = arith.constant 32 : index
      %swap3A_49 = tpu.vector_load %arg10[%swap3A_47, %swap3A_48] {strides = array<i32>} : memref<80x128xf32, #tpu.memory_space<vmem>>, vector<1x16xf32>,
      %swap3A_50 = vector.shape_cast %swap3A_49 : vector<1x16xf32> to vector<16xf32>
      %swap3A_51 = vector.shape_cast %broadcast_in_dim3A_1 : vector<16xf32> to vector<1x16xf32>
      tpu.vector_store %arg10[%swap3A_47, %swap3A_48], %swap3A_51 {strides = array<i32>} : memref<80x128xf32, #tpu.memory_space<vmem>>, vector<1x16xf32>,
      %swap3A_52 = arith.index_cast %scan3A_37 : i32 to index
      %swap3A_53 = arith.constant 48 : index
      %swap3A_54 = tpu.vector_load %arg10[%swap3A_52, %swap3A_53] {strides = array<i32>} : memref<80x128xf32, #tpu.memory_space<vmem>>, vector<1x16xf32>,
      %swap3A_55 = vector.shape_cast %swap3A_54 : vector<1x16xf32> to vector<16xf32>
      %swap3A_56 = vector.shape_cast %broadcast_in_dim3A_1 : vector<16xf32> to vector<1x16xf32>
      tpu.vector_store %arg10[%swap3A_52, %swap3A_53], %swap3A_56 {strides = array<i32>} : memref<80x128xf32, #tpu.memory_space<vmem>>, vector<1x16xf32>,
      %swap3A_57 = arith.index_cast %scan3A_37 : i32 to index
      %swap3A_58 = arith.constant 64 : index
      %swap3A_59 = tpu.vector_load %arg10[%swap3A_57, %swap3A_58] {strides = array<i32>} : memref<80x128xf32, #tpu.memory_space<vmem>>, vector<1x16xf32>,
      %swap3A_60 = vector.shape_cast %swap3A_59 : vector<1x16xf32> to vector<16xf32>
      %swap3A_61 = vector.shape_cast %broadcast_in_dim3A_1 : vector<16xf32> to vector<1x16xf32>
      tpu.vector_store %arg10[%swap3A_57, %swap3A_58], %swap3A_61 {strides = array<i32>} : memref<80x128xf32, #tpu.memory_space<vmem>>, vector<1x16xf32>,
      %swap3A_62 = arith.index_cast %scan3A_37 : i32 to index
      %swap3A_63 = arith.constant 80 : index
      %swap3A_64 = tpu.vector_load %arg10[%swap3A_62, %swap3A_63] {strides = array<i32>} : memref<80x128xf32, #tpu.memory_space<vmem>>, vector<1x16xf32>,
      %swap3A_65 = vector.shape_cast %swap3A_64 : vector<1x16xf32> to vector<16xf32>
      %swap3A_66 = vector.shape_cast %broadcast_in_dim3A_1 : vector<16xf32> to vector<1x16xf32>
      tpu.vector_store %arg10[%swap3A_62, %swap3A_63], %swap3A_66 {strides = array<i32>} : memref<80x128xf32, #tpu.memory_space<vmem>>, vector<1x16xf32>,
      %swap3A_67 = arith.index_cast %scan3A_37 : i32 to index
      %swap3A_68 = arith.constant 96 : index
      %swap3A_69 = tpu.vector_load %arg10[%swap3A_67, %swap3A_68] {strides = array<i32>} : memref<80x128xf32, #tpu.memory_space<vmem>>, vector<1x16xf32>,
      %swap3A_70 = vector.shape_cast %swap3A_69 : vector<1x16xf32> to vector<16xf32>
      %swap3A_71 = vector.shape_cast %broadcast_in_dim3A_1 : vector<16xf32> to vector<1x16xf32>
      tpu.vector_store %arg10[%swap3A_67, %swap3A_68], %swap3A_71 {strides = array<i32>} : memref<80x128xf32, #tpu.memory_space<vmem>>, vector<1x16xf32>,
      %swap3A_72 = arith.index_cast %scan3A_37 : i32 to index
      %swap3A_73 = arith.constant 112 : index
      %swap3A_74 = tpu.vector_load %arg10[%swap3A_72, %swap3A_73] {strides = array<i32>} : memref<80x128xf32, #tpu.memory_space<vmem>>, vector<1x16xf32>,
      %swap3A_75 = vector.shape_cast %swap3A_74 : vector<1x16xf32> to vector<16xf32>
      %swap3A_76 = vector.shape_cast %broadcast_in_dim3A_1 : vector<16xf32> to vector<1x16xf32>
      tpu.vector_store %arg10[%swap3A_72, %swap3A_73], %swap3A_76 {strides = array<i32>} : memref<80x128xf32, #tpu.memory_space<vmem>>, vector<1x16xf32>,
    }
    %scan3A_6 = arith.constant 80 : i32
    %run_scoped3A = arith.constant 0 : i32
    "tpu.region"() ({
      %run_scoped3A_37 = tpu.sem_alloc : memref<!tpu.dma_semaphore, #tpu.memory_space<semaphore_mem>>
      %dma_start3A_38 = arith.constant 0 : i32
      %dma_start3A_39 = arith.constant 0 : i32
      %dma_start3A_40 = tpu.memref_slice %arg5[%run_scoped3A, %dma_start3A_38, %dma_start3A_39] : memref<2x80x8xf32, #tpu.memory_space<hbm>> -> memref<1x80x8xf32, #tpu.memory_space<hbm>>
      %dma_start3A_41 = tpu.memref_squeeze %dma_start3A_40 : memref<1x80x8xf32, #tpu.memory_space<hbm>> -> memref<80x8xf32, #tpu.memory_space<hbm>>
      %dma_start3A_42 = arith.constant 0 : i32
      %dma_start3A_43 = arith.constant 0 : i32
      %dma_start3A_44 = tpu.memref_slice %arg5[%run_scoped3A, %dma_start3A_42, %dma_start3A_43] : memref<2x80x8xf32, #tpu.memory_space<hbm>> -> memref<1x80x8xf32, #tpu.memory_space<hbm>>
      %dma_start3A_45 = tpu.memref_squeeze %dma_start3A_44 : memref<1x80x8xf32, #tpu.memory_space<hbm>> -> memref<80x8xf32, #tpu.memory_space<hbm>>
      tpu.enqueue_dma source(%dma_start3A_45 : memref<80x8xf32, #tpu.memory_space<hbm>>) target(%arg12 : memref<80x8xf32, #tpu.memory_space<vmem>>) target_semaphore(%run_scoped3A_37 : memref<!tpu.dma_semaphore, #tpu.memory_space<semaphore_mem>>)
      %dma_wait3A_46 = arith.constant 0 : i32
      %dma_wait3A_47 = arith.constant 0 : i32
      %dma_wait3A_48 = tpu.memref_slice %arg5[%run_scoped3A, %dma_wait3A_46, %dma_wait3A_47] : memref<2x80x8xf32, #tpu.memory_space<hbm>> -> memref<1x80x8xf32, #tpu.memory_space<hbm>>
      %dma_wait3A_49 = tpu.memref_squeeze %dma_wait3A_48 : memref<1x80x8xf32, #tpu.memory_space<hbm>> -> memref<80x8xf32, #tpu.memory_space<hbm>>
      %dma_wait3A_50 = arith.constant 0 : i32
      %dma_wait3A_51 = arith.constant 0 : i32
      %dma_wait3A_52 = tpu.memref_slice %arg5[%run_scoped3A, %dma_wait3A_50, %dma_wait3A_51] : memref<2x80x8xf32, #tpu.memory_space<hbm>> -> memref<1x80x8xf32, #tpu.memory_space<hbm>>
      %dma_wait3A_53 = tpu.memref_squeeze %dma_wait3A_52 : memref<1x80x8xf32, #tpu.memory_space<hbm>> -> memref<80x8xf32, #tpu.memory_space<hbm>>
      tpu.wait_dma2 semaphore(%run_scoped3A_37 : memref<!tpu.dma_semaphore, #tpu.memory_space<semaphore_mem>>) src(%dma_wait3A_53 : memref<80x8xf32, #tpu.memory_space<hbm>>) dst(%arg12 : memref<80x8xf32, #tpu.memory_space<vmem>>)
      tpu.yield
    }) : () -> ()
    %scan3A_7 = arith.constant 0 : i32
    %scan3A_8 = arith.constant 0 : i32
    %scan3A_9 = arith.constant 8 : i32
    %scan3A_10 = arith.addi %scan3A_8, %scan3A_9 : i32
    %scan3A_11 = arith.constant 1 : i32
    scf.for %scan3A_37 = %scan3A_8 to %scan3A_10 step %scan3A_11  : i32 {
      %mul3A_38 = arith.constant 640 : i32
      %mul3A_39 = arith.muli %arg1, %mul3A_38 : i32
      %mul3A_40 = arith.constant 80 : i32
      %mul3A_41 = arith.muli %scan3A_37, %mul3A_40 : i32
      %add3A_42 = arith.addi %mul3A_39, %mul3A_41 : i32
      "tpu.region"() ({
        %run_scoped3A_43 = tpu.sem_alloc : memref<!tpu.dma_semaphore, #tpu.memory_space<semaphore_mem>>
        %dma_start3A_44 = arith.constant 0 : i32
        %dma_start3A_45 = tpu.memref_slice %arg13[%add3A_42, %dma_start3A_44] : memref<10240x128xf32, #tpu.memory_space<vmem_shared>> -> memref<80x128xf32, #tpu.memory_space<vmem_shared>>
        %dma_start3A_46 = arith.constant 0 : i32
        %dma_start3A_47 = tpu.memref_slice %arg13[%add3A_42, %dma_start3A_46] : memref<10240x128xf32, #tpu.memory_space<vmem_shared>> -> memref<80x128xf32, #tpu.memory_space<vmem_shared>>
        tpu.enqueue_dma source(%arg10 : memref<80x128xf32, #tpu.memory_space<vmem>>) target(%dma_start3A_47 : memref<80x128xf32, #tpu.memory_space<vmem_shared>>) target_semaphore(%run_scoped3A_43 : memref<!tpu.dma_semaphore, #tpu.memory_space<semaphore_mem>>)
        %dma_wait3A_48 = arith.constant 0 : i32
        %dma_wait3A_49 = tpu.memref_slice %arg13[%add3A_42, %dma_wait3A_48] : memref<10240x128xf32, #tpu.memory_space<vmem_shared>> -> memref<80x128xf32, #tpu.memory_space<vmem_shared>>
        %dma_wait3A_50 = arith.constant 0 : i32
        %dma_wait3A_51 = tpu.memref_slice %arg13[%add3A_42, %dma_wait3A_50] : memref<10240x128xf32, #tpu.memory_space<vmem_shared>> -> memref<80x128xf32, #tpu.memory_space<vmem_shared>>
        tpu.wait_dma2 semaphore(%run_scoped3A_43 : memref<!tpu.dma_semaphore, #tpu.memory_space<semaphore_mem>>) src(%arg10 : memref<80x128xf32, #tpu.memory_space<vmem>>) dst(%dma_wait3A_51 : memref<80x128xf32, #tpu.memory_space<vmem_shared>>)
        tpu.yield
      }) : () -> ()
      "tpu.region"() ({
        %run_scoped3A_43 = tpu.sem_alloc : memref<!tpu.dma_semaphore, #tpu.memory_space<semaphore_mem>>
        %dma_start3A_44 = arith.constant 0 : i32
        %dma_start3A_45 = tpu.memref_slice %arg14[%add3A_42, %dma_start3A_44] : memref<10240x8xf32, #tpu.memory_space<vmem_shared>> -> memref<80x8xf32, #tpu.memory_space<vmem_shared>>
        %dma_start3A_46 = arith.constant 0 : i32
        %dma_start3A_47 = tpu.memref_slice %arg14[%add3A_42, %dma_start3A_46] : memref<10240x8xf32, #tpu.memory_space<vmem_shared>> -> memref<80x8xf32, #tpu.memory_space<vmem_shared>>
        tpu.enqueue_dma source(%arg12 : memref<80x8xf32, #tpu.memory_space<vmem>>) target(%dma_start3A_47 : memref<80x8xf32, #tpu.memory_space<vmem_shared>>) target_semaphore(%run_scoped3A_43 : memref<!tpu.dma_semaphore, #tpu.memory_space<semaphore_mem>>)
        %dma_wait3A_48 = arith.constant 0 : i32
        %dma_wait3A_49 = tpu.memref_slice %arg14[%add3A_42, %dma_wait3A_48] : memref<10240x8xf32, #tpu.memory_space<vmem_shared>> -> memref<80x8xf32, #tpu.memory_space<vmem_shared>>
        %dma_wait3A_50 = arith.constant 0 : i32
        %dma_wait3A_51 = tpu.memref_slice %arg14[%add3A_42, %dma_wait3A_50] : memref<10240x8xf32, #tpu.memory_space<vmem_shared>> -> memref<80x8xf32, #tpu.memory_space<vmem_shared>>
        tpu.wait_dma2 semaphore(%run_scoped3A_43 : memref<!tpu.dma_semaphore, #tpu.memory_space<semaphore_mem>>) src(%arg12 : memref<80x8xf32, #tpu.memory_space<vmem>>) dst(%dma_wait3A_51 : memref<80x8xf32, #tpu.memory_space<vmem_shared>>)
        tpu.yield
      }) : () -> ()
    }
    %scan3A_12 = arith.constant 8 : i32
    %run_scoped3A_13 = arith.constant 1 : i32
    "tpu.region"() ({
      %run_scoped3A_37 = tpu.sem_alloc : memref<!tpu.dma_semaphore, #tpu.memory_space<semaphore_mem>>
      %dma_start3A_38 = arith.constant 0 : i32
      %dma_start3A_39 = arith.constant 0 : i32
      %dma_start3A_40 = tpu.memref_slice %arg5[%run_scoped3A_13, %dma_start3A_38, %dma_start3A_39] : memref<2x80x8xf32, #tpu.memory_space<hbm>> -> memref<1x80x8xf32, #tpu.memory_space<hbm>>
      %dma_start3A_41 = tpu.memref_squeeze %dma_start3A_40 : memref<1x80x8xf32, #tpu.memory_space<hbm>> -> memref<80x8xf32, #tpu.memory_space<hbm>>
      %dma_start3A_42 = arith.constant 0 : i32
      %dma_start3A_43 = arith.constant 0 : i32
      %dma_start3A_44 = tpu.memref_slice %arg5[%run_scoped3A_13, %dma_start3A_42, %dma_start3A_43] : memref<2x80x8xf32, #tpu.memory_space<hbm>> -> memref<1x80x8xf32, #tpu.memory_space<hbm>>
      %dma_start3A_45 = tpu.memref_squeeze %dma_start3A_44 : memref<1x80x8xf32, #tpu.memory_space<hbm>> -> memref<80x8xf32, #tpu.memory_space<hbm>>
      tpu.enqueue_dma source(%dma_start3A_45 : memref<80x8xf32, #tpu.memory_space<hbm>>) target(%arg12 : memref<80x8xf32, #tpu.memory_space<vmem>>) target_semaphore(%run_scoped3A_37 : memref<!tpu.dma_semaphore, #tpu.memory_space<semaphore_mem>>)
      %dma_wait3A_46 = arith.constant 0 : i32
      %dma_wait3A_47 = arith.constant 0 : i32
      %dma_wait3A_48 = tpu.memref_slice %arg5[%run_scoped3A_13, %dma_wait3A_46, %dma_wait3A_47] : memref<2x80x8xf32, #tpu.memory_space<hbm>> -> memref<1x80x8xf32, #tpu.memory_space<hbm>>
      %dma_wait3A_49 = tpu.memref_squeeze %dma_wait3A_48 : memref<1x80x8xf32, #tpu.memory_space<hbm>> -> memref<80x8xf32, #tpu.memory_space<hbm>>
      %dma_wait3A_50 = arith.constant 0 : i32
      %dma_wait3A_51 = arith.constant 0 : i32
      %dma_wait3A_52 = tpu.memref_slice %arg5[%run_scoped3A_13, %dma_wait3A_50, %dma_wait3A_51] : memref<2x80x8xf32, #tpu.memory_space<hbm>> -> memref<1x80x8xf32, #tpu.memory_space<hbm>>
      %dma_wait3A_53 = tpu.memref_squeeze %dma_wait3A_52 : memref<1x80x8xf32, #tpu.memory_space<hbm>> -> memref<80x8xf32, #tpu.memory_space<hbm>>
      tpu.wait_dma2 semaphore(%run_scoped3A_37 : memref<!tpu.dma_semaphore, #tpu.memory_space<semaphore_mem>>) src(%dma_wait3A_53 : memref<80x8xf32, #tpu.memory_space<hbm>>) dst(%arg12 : memref<80x8xf32, #tpu.memory_space<vmem>>)
      tpu.yield
    }) : () -> ()
    %dma_start3A = arith.constant 0 : i32
    %dma_start3A_14 = arith.constant 0 : i32
    %dma_start3A_15 = tpu.memref_slice %arg9[%dma_start3A, %dma_start3A_14] : memref<125x80xi32, #tpu.memory_space<vmem>> -> memref<1x80xi32, #tpu.memory_space<vmem>>
    %dma_start3A_16 = tpu.memref_squeeze %dma_start3A_15 : memref<1x80xi32, #tpu.memory_space<vmem>> -> memref<80xi32, #tpu.memory_space<vmem>>
    %dma_start3A_17 = arith.constant 0 : i32
    %dma_start3A_18 = arith.constant 0 : i32
    %dma_start3A_19 = tpu.memref_slice %arg4[%dma_start3A_17, %dma_start3A_18] : memref<10000x128xf32, #tpu.memory_space<hbm>> -> memref<10000x128xf32, #tpu.memory_space<hbm>>
    tpu.enqueue_indirect_dma source(%dma_start3A_19 : memref<10000x128xf32, #tpu.memory_space<hbm>>) target(%arg11 : memref<80x128xf32, #tpu.memory_space<vmem>>) offsets(%dma_start3A_16 : memref<80xi32, #tpu.memory_space<vmem>>) semaphore(%arg16 : memref<!tpu.dma_semaphore, #tpu.memory_space<semaphore_mem>>)
    %barrier3A = arith.constant 0 : index
    tpu.barrier barrier_id(%barrier3A)
    %scan3A_20 = arith.constant 0 : i32
    %scan3A_21 = arith.constant 0 : i32
    %scan3A_22 = arith.constant 62 : i32
    %scan3A_23 = arith.addi %scan3A_21, %scan3A_22 : i32
    %scan3A_24 = arith.constant 1 : i32
    scf.for %scan3A_37 = %scan3A_21 to %scan3A_23 step %scan3A_24  : i32 {
      %mul3A_38 = arith.constant 2 : i32
      %mul3A_39 = arith.muli %mul3A_38, %scan3A_37 : i32
      %add3A_40 = arith.constant 1 : i32
      %add3A_41 = arith.addi %mul3A_39, %add3A_40 : i32
      %dma_start3A_42 = arith.constant 0 : i32
      %dma_start3A_43 = tpu.memref_slice %arg9[%add3A_41, %dma_start3A_42] : memref<125x80xi32, #tpu.memory_space<vmem>> -> memref<1x80xi32, #tpu.memory_space<vmem>>
      %dma_start3A_44 = tpu.memref_squeeze %dma_start3A_43 : memref<1x80xi32, #tpu.memory_space<vmem>> -> memref<80xi32, #tpu.memory_space<vmem>>
      %dma_start3A_45 = arith.constant 0 : i32
      %dma_start3A_46 = arith.constant 0 : i32
      %dma_start3A_47 = tpu.memref_slice %arg4[%dma_start3A_45, %dma_start3A_46] : memref<10000x128xf32, #tpu.memory_space<hbm>> -> memref<10000x128xf32, #tpu.memory_space<hbm>>
      tpu.enqueue_indirect_dma source(%dma_start3A_47 : memref<10000x128xf32, #tpu.memory_space<hbm>>) target(%arg10 : memref<80x128xf32, #tpu.memory_space<vmem>>) offsets(%dma_start3A_44 : memref<80xi32, #tpu.memory_space<vmem>>) semaphore(%arg15 : memref<!tpu.dma_semaphore, #tpu.memory_space<semaphore_mem>>)
      %dma_wait3A_48 = arith.constant 0 : i32
      %dma_wait3A_49 = tpu.memref_slice %arg9[%mul3A_39, %dma_wait3A_48] : memref<125x80xi32, #tpu.memory_space<vmem>> -> memref<1x80xi32, #tpu.memory_space<vmem>>
      %dma_wait3A_50 = tpu.memref_squeeze %dma_wait3A_49 : memref<1x80xi32, #tpu.memory_space<vmem>> -> memref<80xi32, #tpu.memory_space<vmem>>
      %dma_wait3A_51 = arith.constant 0 : i32
      %dma_wait3A_52 = arith.constant 0 : i32
      %dma_wait3A_53 = tpu.memref_slice %arg4[%dma_wait3A_51, %dma_wait3A_52] : memref<10000x128xf32, #tpu.memory_space<hbm>> -> memref<10000x128xf32, #tpu.memory_space<hbm>>
      tpu.wait_indirect_dma semaphore(%arg16 : memref<!tpu.dma_semaphore, #tpu.memory_space<semaphore_mem>>) src(%dma_wait3A_53 : memref<10000x128xf32, #tpu.memory_space<hbm>>) dst(%arg11 : memref<80x128xf32, #tpu.memory_space<vmem>>)
      "tpu.region"() ({
        %run_scoped3A_72 = tpu.sem_alloc : memref<!tpu.dma_semaphore, #tpu.memory_space<semaphore_mem>>
        %dma_start3A_73 = arith.constant 0 : i32
        %dma_start3A_74 = tpu.memref_slice %arg8[%mul3A_39, %dma_start3A_73] : memref<125x80xi32, #tpu.memory_space<vmem>> -> memref<1x80xi32, #tpu.memory_space<vmem>>
        %dma_start3A_75 = tpu.memref_squeeze %dma_start3A_74 : memref<1x80xi32, #tpu.memory_space<vmem>> -> memref<80xi32, #tpu.memory_space<vmem>>
        %dma_start3A_76 = arith.constant 0 : i32
        %dma_start3A_77 = arith.constant 0 : i32
        %dma_start3A_78 = tpu.memref_slice %arg13[%dma_start3A_76, %dma_start3A_77] : memref<10240x128xf32, #tpu.memory_space<vmem_shared>> -> memref<10240x128xf32, #tpu.memory_space<vmem_shared>>
        tpu.enqueue_indirect_dma source(%arg11 : memref<80x128xf32, #tpu.memory_space<vmem>>) target(%dma_start3A_78 : memref<10240x128xf32, #tpu.memory_space<vmem_shared>>) offsets(%dma_start3A_75 : memref<80xi32, #tpu.memory_space<vmem>>) semaphore(%run_scoped3A_72 : memref<!tpu.dma_semaphore, #tpu.memory_space<semaphore_mem>>) {add = true}
        %dma_wait3A_79 = arith.constant 0 : i32
        %dma_wait3A_80 = tpu.memref_slice %arg8[%mul3A_39, %dma_wait3A_79] : memref<125x80xi32, #tpu.memory_space<vmem>> -> memref<1x80xi32, #tpu.memory_space<vmem>>
        %dma_wait3A_81 = tpu.memref_squeeze %dma_wait3A_80 : memref<1x80xi32, #tpu.memory_space<vmem>> -> memref<80xi32, #tpu.memory_space<vmem>>
        %dma_wait3A_82 = arith.constant 0 : i32
        %dma_wait3A_83 = arith.constant 0 : i32
        %dma_wait3A_84 = tpu.memref_slice %arg13[%dma_wait3A_82, %dma_wait3A_83] : memref<10240x128xf32, #tpu.memory_space<vmem_shared>> -> memref<10240x128xf32, #tpu.memory_space<vmem_shared>>
        tpu.wait_indirect_dma semaphore(%run_scoped3A_72 : memref<!tpu.dma_semaphore, #tpu.memory_space<semaphore_mem>>) src(%arg11 : memref<80x128xf32, #tpu.memory_space<vmem>>) dst(%dma_wait3A_84 : memref<10240x128xf32, #tpu.memory_space<vmem_shared>>)
        tpu.yield
      }) : () -> ()
      "tpu.region"() ({
        %run_scoped3A_72 = tpu.sem_alloc : memref<!tpu.dma_semaphore, #tpu.memory_space<semaphore_mem>>
        %dma_start3A_73 = arith.constant 0 : i32
        %dma_start3A_74 = tpu.memref_slice %arg8[%mul3A_39, %dma_start3A_73] : memref<125x80xi32, #tpu.memory_space<vmem>> -> memref<1x80xi32, #tpu.memory_space<vmem>>
        %dma_start3A_75 = tpu.memref_squeeze %dma_start3A_74 : memref<1x80xi32, #tpu.memory_space<vmem>> -> memref<80xi32, #tpu.memory_space<vmem>>
        %dma_start3A_76 = arith.constant 0 : i32
        %dma_start3A_77 = arith.constant 0 : i32
        %dma_start3A_78 = tpu.memref_slice %arg14[%dma_start3A_76, %dma_start3A_77] : memref<10240x8xf32, #tpu.memory_space<vmem_shared>> -> memref<10240x8xf32, #tpu.memory_space<vmem_shared>>
        tpu.enqueue_indirect_dma source(%arg12 : memref<80x8xf32, #tpu.memory_space<vmem>>) target(%dma_start3A_78 : memref<10240x8xf32, #tpu.memory_space<vmem_shared>>) offsets(%dma_start3A_75 : memref<80xi32, #tpu.memory_space<vmem>>) semaphore(%run_scoped3A_72 : memref<!tpu.dma_semaphore, #tpu.memory_space<semaphore_mem>>) {add = true}
        %dma_wait3A_79 = arith.constant 0 : i32
        %dma_wait3A_80 = tpu.memref_slice %arg8[%mul3A_39, %dma_wait3A_79] : memref<125x80xi32, #tpu.memory_space<vmem>> -> memref<1x80xi32, #tpu.memory_space<vmem>>
        %dma_wait3A_81 = tpu.memref_squeeze %dma_wait3A_80 : memref<1x80xi32, #tpu.memory_space<vmem>> -> memref<80xi32, #tpu.memory_space<vmem>>
        %dma_wait3A_82 = arith.constant 0 : i32
        %dma_wait3A_83 = arith.constant 0 : i32
        %dma_wait3A_84 = tpu.memref_slice %arg14[%dma_wait3A_82, %dma_wait3A_83] : memref<10240x8xf32, #tpu.memory_space<vmem_shared>> -> memref<10240x8xf32, #tpu.memory_space<vmem_shared>>
        tpu.wait_indirect_dma semaphore(%run_scoped3A_72 : memref<!tpu.dma_semaphore, #tpu.memory_space<semaphore_mem>>) src(%arg12 : memref<80x8xf32, #tpu.memory_space<vmem>>) dst(%dma_wait3A_84 : memref<10240x8xf32, #tpu.memory_space<vmem_shared>>)
        tpu.yield
      }) : () -> ()
      %add3A_54 = arith.constant 2 : i32
      %add3A_55 = arith.addi %mul3A_39, %add3A_54 : i32
      %dma_start3A_56 = arith.constant 0 : i32
      %dma_start3A_57 = tpu.memref_slice %arg9[%add3A_55, %dma_start3A_56] : memref<125x80xi32, #tpu.memory_space<vmem>> -> memref<1x80xi32, #tpu.memory_space<vmem>>
      %dma_start3A_58 = tpu.memref_squeeze %dma_start3A_57 : memref<1x80xi32, #tpu.memory_space<vmem>> -> memref<80xi32, #tpu.memory_space<vmem>>
      %dma_start3A_59 = arith.constant 0 : i32
      %dma_start3A_60 = arith.constant 0 : i32
      %dma_start3A_61 = tpu.memref_slice %arg4[%dma_start3A_59, %dma_start3A_60] : memref<10000x128xf32, #tpu.memory_space<hbm>> -> memref<10000x128xf32, #tpu.memory_space<hbm>>
      tpu.enqueue_indirect_dma source(%dma_start3A_61 : memref<10000x128xf32, #tpu.memory_space<hbm>>) target(%arg11 : memref<80x128xf32, #tpu.memory_space<vmem>>) offsets(%dma_start3A_58 : memref<80xi32, #tpu.memory_space<vmem>>) semaphore(%arg16 : memref<!tpu.dma_semaphore, #tpu.memory_space<semaphore_mem>>)
      %add3A_62 = arith.constant 1 : i32
      %add3A_63 = arith.addi %mul3A_39, %add3A_62 : i32
      %dma_wait3A_64 = arith.constant 0 : i32
      %dma_wait3A_65 = tpu.memref_slice %arg9[%add3A_63, %dma_wait3A_64] : memref<125x80xi32, #tpu.memory_space<vmem>> -> memref<1x80xi32, #tpu.memory_space<vmem>>
      %dma_wait3A_66 = tpu.memref_squeeze %dma_wait3A_65 : memref<1x80xi32, #tpu.memory_space<vmem>> -> memref<80xi32, #tpu.memory_space<vmem>>
      %dma_wait3A_67 = arith.constant 0 : i32
      %dma_wait3A_68 = arith.constant 0 : i32
      %dma_wait3A_69 = tpu.memref_slice %arg4[%dma_wait3A_67, %dma_wait3A_68] : memref<10000x128xf32, #tpu.memory_space<hbm>> -> memref<10000x128xf32, #tpu.memory_space<hbm>>
      tpu.wait_indirect_dma semaphore(%arg15 : memref<!tpu.dma_semaphore, #tpu.memory_space<semaphore_mem>>) src(%dma_wait3A_69 : memref<10000x128xf32, #tpu.memory_space<hbm>>) dst(%arg10 : memref<80x128xf32, #tpu.memory_space<vmem>>)
      %add3A_70 = arith.constant 1 : i32
      %add3A_71 = arith.addi %mul3A_39, %add3A_70 : i32
      "tpu.region"() ({
        %run_scoped3A_72 = tpu.sem_alloc : memref<!tpu.dma_semaphore, #tpu.memory_space<semaphore_mem>>
        %dma_start3A_73 = arith.constant 0 : i32
        %dma_start3A_74 = tpu.memref_slice %arg8[%add3A_71, %dma_start3A_73] : memref<125x80xi32, #tpu.memory_space<vmem>> -> memref<1x80xi32, #tpu.memory_space<vmem>>
        %dma_start3A_75 = tpu.memref_squeeze %dma_start3A_74 : memref<1x80xi32, #tpu.memory_space<vmem>> -> memref<80xi32, #tpu.memory_space<vmem>>
        %dma_start3A_76 = arith.constant 0 : i32
        %dma_start3A_77 = arith.constant 0 : i32
        %dma_start3A_78 = tpu.memref_slice %arg13[%dma_start3A_76, %dma_start3A_77] : memref<10240x128xf32, #tpu.memory_space<vmem_shared>> -> memref<10240x128xf32, #tpu.memory_space<vmem_shared>>
        tpu.enqueue_indirect_dma source(%arg10 : memref<80x128xf32, #tpu.memory_space<vmem>>) target(%dma_start3A_78 : memref<10240x128xf32, #tpu.memory_space<vmem_shared>>) offsets(%dma_start3A_75 : memref<80xi32, #tpu.memory_space<vmem>>) semaphore(%run_scoped3A_72 : memref<!tpu.dma_semaphore, #tpu.memory_space<semaphore_mem>>) {add = true}
        %dma_wait3A_79 = arith.constant 0 : i32
        %dma_wait3A_80 = tpu.memref_slice %arg8[%add3A_71, %dma_wait3A_79] : memref<125x80xi32, #tpu.memory_space<vmem>> -> memref<1x80xi32, #tpu.memory_space<vmem>>
        %dma_wait3A_81 = tpu.memref_squeeze %dma_wait3A_80 : memref<1x80xi32, #tpu.memory_space<vmem>> -> memref<80xi32, #tpu.memory_space<vmem>>
        %dma_wait3A_82 = arith.constant 0 : i32
        %dma_wait3A_83 = arith.constant 0 : i32
        %dma_wait3A_84 = tpu.memref_slice %arg13[%dma_wait3A_82, %dma_wait3A_83] : memref<10240x128xf32, #tpu.memory_space<vmem_shared>> -> memref<10240x128xf32, #tpu.memory_space<vmem_shared>>
        tpu.wait_indirect_dma semaphore(%run_scoped3A_72 : memref<!tpu.dma_semaphore, #tpu.memory_space<semaphore_mem>>) src(%arg10 : memref<80x128xf32, #tpu.memory_space<vmem>>) dst(%dma_wait3A_84 : memref<10240x128xf32, #tpu.memory_space<vmem_shared>>)
        tpu.yield
      }) : () -> ()
      "tpu.region"() ({
        %run_scoped3A_72 = tpu.sem_alloc : memref<!tpu.dma_semaphore, #tpu.memory_space<semaphore_mem>>
        %dma_start3A_73 = arith.constant 0 : i32
        %dma_start3A_74 = tpu.memref_slice %arg8[%add3A_71, %dma_start3A_73] : memref<125x80xi32, #tpu.memory_space<vmem>> -> memref<1x80xi32, #tpu.memory_space<vmem>>
        %dma_start3A_75 = tpu.memref_squeeze %dma_start3A_74 : memref<1x80xi32, #tpu.memory_space<vmem>> -> memref<80xi32, #tpu.memory_space<vmem>>
        %dma_start3A_76 = arith.constant 0 : i32
        %dma_start3A_77 = arith.constant 0 : i32
        %dma_start3A_78 = tpu.memref_slice %arg14[%dma_start3A_76, %dma_start3A_77] : memref<10240x8xf32, #tpu.memory_space<vmem_shared>> -> memref<10240x8xf32, #tpu.memory_space<vmem_shared>>
        tpu.enqueue_indirect_dma source(%arg12 : memref<80x8xf32, #tpu.memory_space<vmem>>) target(%dma_start3A_78 : memref<10240x8xf32, #tpu.memory_space<vmem_shared>>) offsets(%dma_start3A_75 : memref<80xi32, #tpu.memory_space<vmem>>) semaphore(%run_scoped3A_72 : memref<!tpu.dma_semaphore, #tpu.memory_space<semaphore_mem>>) {add = true}
        %dma_wait3A_79 = arith.constant 0 : i32
        %dma_wait3A_80 = tpu.memref_slice %arg8[%add3A_71, %dma_wait3A_79] : memref<125x80xi32, #tpu.memory_space<vmem>> -> memref<1x80xi32, #tpu.memory_space<vmem>>
        %dma_wait3A_81 = tpu.memref_squeeze %dma_wait3A_80 : memref<1x80xi32, #tpu.memory_space<vmem>> -> memref<80xi32, #tpu.memory_space<vmem>>
        %dma_wait3A_82 = arith.constant 0 : i32
        %dma_wait3A_83 = arith.constant 0 : i32
        %dma_wait3A_84 = tpu.memref_slice %arg14[%dma_wait3A_82, %dma_wait3A_83] : memref<10240x8xf32, #tpu.memory_space<vmem_shared>> -> memref<10240x8xf32, #tpu.memory_space<vmem_shared>>
        tpu.wait_indirect_dma semaphore(%run_scoped3A_72 : memref<!tpu.dma_semaphore, #tpu.memory_space<semaphore_mem>>) src(%arg12 : memref<80x8xf32, #tpu.memory_space<vmem>>) dst(%dma_wait3A_84 : memref<10240x8xf32, #tpu.memory_space<vmem_shared>>)
        tpu.yield
      }) : () -> ()
    }
    %scan3A_25 = arith.constant 62 : i32
    %dma_wait3A = arith.constant 124 : i32
    %dma_wait3A_26 = arith.constant 0 : i32
    %dma_wait3A_27 = tpu.memref_slice %arg9[%dma_wait3A, %dma_wait3A_26] : memref<125x80xi32, #tpu.memory_space<vmem>> -> memref<1x80xi32, #tpu.memory_space<vmem>>
    %dma_wait3A_28 = tpu.memref_squeeze %dma_wait3A_27 : memref<1x80xi32, #tpu.memory_space<vmem>> -> memref<80xi32, #tpu.memory_space<vmem>>
    %dma_wait3A_29 = arith.constant 0 : i32
    %dma_wait3A_30 = arith.constant 0 : i32
    %dma_wait3A_31 = tpu.memref_slice %arg4[%dma_wait3A_29, %dma_wait3A_30] : memref<10000x128xf32, #tpu.memory_space<hbm>> -> memref<10000x128xf32, #tpu.memory_space<hbm>>
    tpu.wait_indirect_dma semaphore(%arg16 : memref<!tpu.dma_semaphore, #tpu.memory_space<semaphore_mem>>) src(%dma_wait3A_31 : memref<10000x128xf32, #tpu.memory_space<hbm>>) dst(%arg11 : memref<80x128xf32, #tpu.memory_space<vmem>>)
    %run_scoped3A_32 = arith.constant 124 : i32
    "tpu.region"() ({
      %run_scoped3A_37 = tpu.sem_alloc : memref<!tpu.dma_semaphore, #tpu.memory_space<semaphore_mem>>
      %dma_start3A_38 = arith.constant 0 : i32
      %dma_start3A_39 = tpu.memref_slice %arg8[%run_scoped3A_32, %dma_start3A_38] : memref<125x80xi32, #tpu.memory_space<vmem>> -> memref<1x80xi32, #tpu.memory_space<vmem>>
      %dma_start3A_40 = tpu.memref_squeeze %dma_start3A_39 : memref<1x80xi32, #tpu.memory_space<vmem>> -> memref<80xi32, #tpu.memory_space<vmem>>
      %dma_start3A_41 = arith.constant 0 : i32
      %dma_start3A_42 = arith.constant 0 : i32
      %dma_start3A_43 = tpu.memref_slice %arg13[%dma_start3A_41, %dma_start3A_42] : memref<10240x128xf32, #tpu.memory_space<vmem_shared>> -> memref<10240x128xf32, #tpu.memory_space<vmem_shared>>
      tpu.enqueue_indirect_dma source(%arg11 : memref<80x128xf32, #tpu.memory_space<vmem>>) target(%dma_start3A_43 : memref<10240x128xf32, #tpu.memory_space<vmem_shared>>) offsets(%dma_start3A_40 : memref<80xi32, #tpu.memory_space<vmem>>) semaphore(%run_scoped3A_37 : memref<!tpu.dma_semaphore, #tpu.memory_space<semaphore_mem>>) {add = true}
      %dma_wait3A_44 = arith.constant 0 : i32
      %dma_wait3A_45 = tpu.memref_slice %arg8[%run_scoped3A_32, %dma_wait3A_44] : memref<125x80xi32, #tpu.memory_space<vmem>> -> memref<1x80xi32, #tpu.memory_space<vmem>>
      %dma_wait3A_46 = tpu.memref_squeeze %dma_wait3A_45 : memref<1x80xi32, #tpu.memory_space<vmem>> -> memref<80xi32, #tpu.memory_space<vmem>>
      %dma_wait3A_47 = arith.constant 0 : i32
      %dma_wait3A_48 = arith.constant 0 : i32
      %dma_wait3A_49 = tpu.memref_slice %arg13[%dma_wait3A_47, %dma_wait3A_48] : memref<10240x128xf32, #tpu.memory_space<vmem_shared>> -> memref<10240x128xf32, #tpu.memory_space<vmem_shared>>
      tpu.wait_indirect_dma semaphore(%run_scoped3A_37 : memref<!tpu.dma_semaphore, #tpu.memory_space<semaphore_mem>>) src(%arg11 : memref<80x128xf32, #tpu.memory_space<vmem>>) dst(%dma_wait3A_49 : memref<10240x128xf32, #tpu.memory_space<vmem_shared>>)
      tpu.yield
    }) : () -> ()
    %run_scoped3A_33 = arith.constant 124 : i32
    "tpu.region"() ({
      %run_scoped3A_37 = tpu.sem_alloc : memref<!tpu.dma_semaphore, #tpu.memory_space<semaphore_mem>>
      %dma_start3A_38 = arith.constant 0 : i32
      %dma_start3A_39 = tpu.memref_slice %arg8[%run_scoped3A_33, %dma_start3A_38] : memref<125x80xi32, #tpu.memory_space<vmem>> -> memref<1x80xi32, #tpu.memory_space<vmem>>
      %dma_start3A_40 = tpu.memref_squeeze %dma_start3A_39 : memref<1x80xi32, #tpu.memory_space<vmem>> -> memref<80xi32, #tpu.memory_space<vmem>>
      %dma_start3A_41 = arith.constant 0 : i32
      %dma_start3A_42 = arith.constant 0 : i32
      %dma_start3A_43 = tpu.memref_slice %arg14[%dma_start3A_41, %dma_start3A_42] : memref<10240x8xf32, #tpu.memory_space<vmem_shared>> -> memref<10240x8xf32, #tpu.memory_space<vmem_shared>>
      tpu.enqueue_indirect_dma source(%arg12 : memref<80x8xf32, #tpu.memory_space<vmem>>) target(%dma_start3A_43 : memref<10240x8xf32, #tpu.memory_space<vmem_shared>>) offsets(%dma_start3A_40 : memref<80xi32, #tpu.memory_space<vmem>>) semaphore(%run_scoped3A_37 : memref<!tpu.dma_semaphore, #tpu.memory_space<semaphore_mem>>) {add = true}
      %dma_wait3A_44 = arith.constant 0 : i32
      %dma_wait3A_45 = tpu.memref_slice %arg8[%run_scoped3A_33, %dma_wait3A_44] : memref<125x80xi32, #tpu.memory_space<vmem>> -> memref<1x80xi32, #tpu.memory_space<vmem>>
      %dma_wait3A_46 = tpu.memref_squeeze %dma_wait3A_45 : memref<1x80xi32, #tpu.memory_space<vmem>> -> memref<80xi32, #tpu.memory_space<vmem>>
      %dma_wait3A_47 = arith.constant 0 : i32
      %dma_wait3A_48 = arith.constant 0 : i32
      %dma_wait3A_49 = tpu.memref_slice %arg14[%dma_wait3A_47, %dma_wait3A_48] : memref<10240x8xf32, #tpu.memory_space<vmem_shared>> -> memref<10240x8xf32, #tpu.memory_space<vmem_shared>>
      tpu.wait_indirect_dma semaphore(%run_scoped3A_37 : memref<!tpu.dma_semaphore, #tpu.memory_space<semaphore_mem>>) src(%arg12 : memref<80x8xf32, #tpu.memory_space<vmem>>) dst(%dma_wait3A_49 : memref<10240x8xf32, #tpu.memory_space<vmem_shared>>)
      tpu.yield
    }) : () -> ()
    %barrier3A_34 = arith.constant 0 : index
    tpu.barrier barrier_id(%barrier3A_34)
    %mul3A_35 = arith.constant 640 : i32
    %mul3A_36 = arith.muli %arg1, %mul3A_35 : i32
    "tpu.region"() ({
      %run_scoped3A_37 = tpu.sem_alloc : memref<!tpu.dma_semaphore, #tpu.memory_space<semaphore_mem>>
      %dma_start3A_38 = arith.constant 0 : i32
      %dma_start3A_39 = tpu.memref_slice %arg6[%arg0, %mul3A_36, %dma_start3A_38] : memref<2x10240x128xf32, #tpu.memory_space<hbm>> -> memref<1x640x128xf32, #tpu.memory_space<hbm>>
      %dma_start3A_40 = tpu.memref_squeeze %dma_start3A_39 : memref<1x640x128xf32, #tpu.memory_space<hbm>> -> memref<640x128xf32, #tpu.memory_space<hbm>>
      %dma_start3A_41 = arith.constant 0 : i32
      %dma_start3A_42 = tpu.memref_slice %arg13[%mul3A_36, %dma_start3A_41] : memref<10240x128xf32, #tpu.memory_space<vmem_shared>> -> memref<640x128xf32, #tpu.memory_space<vmem_shared>>
      tpu.enqueue_dma source(%dma_start3A_42 : memref<640x128xf32, #tpu.memory_space<vmem_shared>>) target(%dma_start3A_40 : memref<640x128xf32, #tpu.memory_space<hbm>>) target_semaphore(%run_scoped3A_37 : memref<!tpu.dma_semaphore, #tpu.memory_space<semaphore_mem>>)
      %dma_wait3A_43 = arith.constant 0 : i32
      %dma_wait3A_44 = tpu.memref_slice %arg6[%arg0, %mul3A_36, %dma_wait3A_43] : memref<2x10240x128xf32, #tpu.memory_space<hbm>> -> memref<1x640x128xf32, #tpu.memory_space<hbm>>
      %dma_wait3A_45 = tpu.memref_squeeze %dma_wait3A_44 : memref<1x640x128xf32, #tpu.memory_space<hbm>> -> memref<640x128xf32, #tpu.memory_space<hbm>>
      %dma_wait3A_46 = arith.constant 0 : i32
      %dma_wait3A_47 = tpu.memref_slice %arg13[%mul3A_36, %dma_wait3A_46] : memref<10240x128xf32, #tpu.memory_space<vmem_shared>> -> memref<640x128xf32, #tpu.memory_space<vmem_shared>>
      tpu.wait_dma2 semaphore(%run_scoped3A_37 : memref<!tpu.dma_semaphore, #tpu.memory_space<semaphore_mem>>) src(%dma_wait3A_47 : memref<640x128xf32, #tpu.memory_space<vmem_shared>>) dst(%dma_wait3A_45 : memref<640x128xf32, #tpu.memory_space<hbm>>)
      tpu.yield
    }) : () -> ()
    "tpu.region"() ({
      %run_scoped3A_37 = tpu.sem_alloc : memref<!tpu.dma_semaphore, #tpu.memory_space<semaphore_mem>>
      %dma_start3A_38 = arith.constant 0 : i32
      %dma_start3A_39 = tpu.memref_slice %arg7[%arg0, %mul3A_36, %dma_start3A_38] : memref<2x10240x8xf32, #tpu.memory_space<hbm>> -> memref<1x640x8xf32, #tpu.memory_space<hbm>>
      %dma_start3A_40 = tpu.memref_squeeze %dma_start3A_39 : memref<1x640x8xf32, #tpu.memory_space<hbm>> -> memref<640x8xf32, #tpu.memory_space<hbm>>
      %dma_start3A_41 = arith.constant 0 : i32
      %dma_start3A_42 = tpu.memref_slice %arg14[%mul3A_36, %dma_start3A_41] : memref<10240x8xf32, #tpu.memory_space<vmem_shared>> -> memref<640x8xf32, #tpu.memory_space<vmem_shared>>
      tpu.enqueue_dma source(%dma_start3A_42 : memref<640x8xf32, #tpu.memory_space<vmem_shared>>) target(%dma_start3A_40 : memref<640x8xf32, #tpu.memory_space<hbm>>) target_semaphore(%run_scoped3A_37 : memref<!tpu.dma_semaphore, #tpu.memory_space<semaphore_mem>>)
      %dma_wait3A_43 = arith.constant 0 : i32
      %dma_wait3A_44 = tpu.memref_slice %arg7[%arg0, %mul3A_36, %dma_wait3A_43] : memref<2x10240x8xf32, #tpu.memory_space<hbm>> -> memref<1x640x8xf32, #tpu.memory_space<hbm>>
      %dma_wait3A_45 = tpu.memref_squeeze %dma_wait3A_44 : memref<1x640x8xf32, #tpu.memory_space<hbm>> -> memref<640x8xf32, #tpu.memory_space<hbm>>
      %dma_wait3A_46 = arith.constant 0 : i32
      %dma_wait3A_47 = tpu.memref_slice %arg14[%mul3A_36, %dma_wait3A_46] : memref<10240x8xf32, #tpu.memory_space<vmem_shared>> -> memref<640x8xf32, #tpu.memory_space<vmem_shared>>
      tpu.wait_dma2 semaphore(%run_scoped3A_37 : memref<!tpu.dma_semaphore, #tpu.memory_space<semaphore_mem>>) src(%dma_wait3A_47 : memref<640x8xf32, #tpu.memory_space<vmem_shared>>) dst(%dma_wait3A_45 : memref<640x8xf32, #tpu.memory_space<hbm>>)
      tpu.yield
    }) : () -> ()
    return
  }
}

module attributes {stable_mosaic.version = 14 : i64} {
  func.func @_tc_body(%arg0: i32, %arg1: memref<2x1000x128xf32, #tpu.memory_space<vmem>>, %arg2: memref<2x1000x8xf32, #tpu.memory_space<vmem>>, %arg3: memref<128x128xf32, #tpu.memory_space<vmem>>, %arg4: memref<1x128xf32, #tpu.memory_space<vmem>>, %arg5: memref<1000x128xf32, #tpu.memory_space<vmem>>) attributes {dimension_semantics = [#tpu.dimension_semantics<arbitrary>], iteration_bounds = array<i64: 10>, scalar_prefetch = 0 : i64, scratch_operands = 0 : i64, tpu.core_type = #tpu.core_type<tc>, window_params = [{transform_indices = @transform_0, window_bounds = array<i64: 2, 1000, 128>}, {transform_indices = @transform_1, window_bounds = array<i64: 2, 1000, 8>}, {pipeline_mode = #tpu.pipeline_mode<synchronous>, transform_indices = @transform_2, window_bounds = array<i64: 128, 128>}, {pipeline_mode = #tpu.pipeline_mode<synchronous>, transform_indices = @transform_3, window_bounds = array<i64: 1, 128>}, {transform_indices = @transform_4, window_bounds = array<i64: 1000, 128>}]} {
    %get3A = arith.constant 0 : index
    %get3A_0 = arith.constant 0 : index
    %get3A_1 = arith.constant 0 : index
    %get3A_2 = vector.load %arg1[%get3A, %get3A_0, %get3A_1] : memref<2x1000x128xf32, #tpu.memory_space<vmem>>, vector<1x1000x128xf32>
    %get3A_3 = vector.shape_cast %get3A_2 : vector<1x1000x128xf32> to vector<1000x128xf32>
    %get3A_4 = arith.constant 1 : index
    %get3A_5 = arith.constant 0 : index
    %get3A_6 = arith.constant 0 : index
    %get3A_7 = vector.load %arg1[%get3A_4, %get3A_5, %get3A_6] : memref<2x1000x128xf32, #tpu.memory_space<vmem>>, vector<1x1000x128xf32>
    %get3A_8 = vector.shape_cast %get3A_7 : vector<1x1000x128xf32> to vector<1000x128xf32>
    %add3A = arith.addf %get3A_3, %get3A_8 : vector<1000x128xf32>
    %get3A_9 = arith.constant 0 : index
    %get3A_10 = arith.constant 0 : index
    %get3A_11 = arith.constant 0 : index
    %get3A_12 = vector.load %arg2[%get3A_9, %get3A_10, %get3A_11] : memref<2x1000x8xf32, #tpu.memory_space<vmem>>, vector<1x1000x8xf32>
    %get3A_13 = vector.shape_cast %get3A_12 : vector<1x1000x8xf32> to vector<1000x8xf32>
    %get3A_14 = arith.constant 1 : index
    %get3A_15 = arith.constant 0 : index
    %get3A_16 = arith.constant 0 : index
    %get3A_17 = vector.load %arg2[%get3A_14, %get3A_15, %get3A_16] : memref<2x1000x8xf32, #tpu.memory_space<vmem>>, vector<1x1000x8xf32>
    %get3A_18 = vector.shape_cast %get3A_17 : vector<1x1000x8xf32> to vector<1000x8xf32>
    %add3A_19 = arith.addf %get3A_13, %get3A_18 : vector<1000x8xf32>
    %slice3A = vector.extract_strided_slice %add3A_19 {offsets = [0, 0], sizes = [1000, 1], strides = [1, 1]} : vector<1000x8xf32> to vector<1000x1xf32>
    %div3A = arith.constant 1.000000e+00 : f32
    %div3A_20 = vector.broadcast %div3A : f32 to vector<1000x1xf32>
    %div3A_21 = arith.divf %div3A_20, %slice3A : vector<1000x1xf32>
    %mul3A = vector.broadcast %div3A_21 : vector<1000x1xf32> to vector<1000x128xf32>
    %mul3A_22 = arith.mulf %add3A, %mul3A : vector<1000x128xf32>
    %get3A_23 = arith.constant 0 : index
    %get3A_24 = arith.constant 0 : index
    %get3A_25 = vector.load %arg3[%get3A_23, %get3A_24] : memref<128x128xf32, #tpu.memory_space<vmem>>, vector<128x128xf32>
    %dot_general3A = arith.constant dense<0.000000e+00> : vector<1000x128xf32>
    %dot_general3A_26 = tpu.matmul %mul3A_22, %get3A_25, %dot_general3A {dimension_numbers = #tpu.dot_dimension_numbers<[1], [1], [0], [0], [0, 0, 1, 0], [], []>, transpose_lhs_hint = false} : vector<1000x128xf32>, vector<128x128xf32>, vector<1000x128xf32> -> vector<1000x128xf32>
    %get3A_27 = arith.constant 0 : index
    %get3A_28 = arith.constant 0 : index
    %get3A_29 = vector.load %arg4[%get3A_27, %get3A_28] : memref<1x128xf32, #tpu.memory_space<vmem>>, vector<1x128xf32>
    %add3A_30 = vector.broadcast %get3A_29 : vector<1x128xf32> to vector<1000x128xf32>
    %add3A_31 = arith.addf %dot_general3A_26, %add3A_30 : vector<1000x128xf32>
    %swap3A = arith.constant 0 : index
    %swap3A_32 = arith.constant 0 : index
    %swap3A_33 = vector.load %arg5[%swap3A, %swap3A_32] : memref<1000x128xf32, #tpu.memory_space<vmem>>, vector<1000x128xf32>
    tpu.vector_store %arg5[%swap3A, %swap3A_32], %add3A_31 {strides = array<i32>} : memref<1000x128xf32, #tpu.memory_space<vmem>>, vector<1000x128xf32>,
    return
  }
  func.func @transform_0(%arg0: i32) -> (i32, i32, i32) {
    %c0_i32 = arith.constant 0 : i32
    %c0_i32_0 = arith.constant 0 : i32
    %c0_i32_1 = arith.constant 0 : i32
    return %c0_i32, %arg0, %c0_i32_0 : i32, i32, i32
  }
  func.func @transform_1(%arg0: i32) -> (i32, i32, i32) {
    %c0_i32 = arith.constant 0 : i32
    %c0_i32_0 = arith.constant 0 : i32
    %c0_i32_1 = arith.constant 0 : i32
    return %c0_i32, %arg0, %c0_i32_0 : i32, i32, i32
  }
  func.func @transform_2(%arg0: i32) -> (i32, i32) {
    %c0_i32 = arith.constant 0 : i32
    %c0_i32_0 = arith.constant 0 : i32
    %c0_i32_1 = arith.constant 0 : i32
    return %c0_i32, %c0_i32_0 : i32, i32
  }
  func.func @transform_3(%arg0: i32) -> (i32, i32) {
    %c0_i32 = arith.constant 0 : i32
    %c0_i32_0 = arith.constant 0 : i32
    %c0_i32_1 = arith.constant 0 : i32
    return %c0_i32, %c0_i32_0 : i32, i32
  }
  func.func @transform_4(%arg0: i32) -> (i32, i32) {
    %c0_i32 = arith.constant 0 : i32
    %c0_i32_0 = arith.constant 0 : i32
    return %arg0, %c0_i32 : i32, i32
  }
}

</mosaic_0001>

<sc_bundles>
// kernel: kernel.4.cloned.1.call-start
scs
__scs_entry_jumppad:
0x0: {  	(pc) =	sbr.rel $0x88, $3  }
0x1: {  	(tag) =	ssettag $0x0;
	lr =	simm.s32 $0x1  }
0x2: {  	[smem:$0x3F9D] =	sst lr;
	_ =	strace $0xD0000000  }
0x3: {  	_ = 	snop  }
0x4: {  	_ = 	snop  }
0x5: {  	_ = 	snop  }
0x6: {  	_ = 	snop  }
0x7: {  	_ = 	snop  }
__scs_overlays_trampoline_lowered:
0x8: {  	[smem:$0x3FAC] =	sst s0  }
0x9: {  	[smem:$0x3FAD] =	sst s1  }
0xa: {  	[smem:$0x3FAE] =	sst s2  }
0xb: {  	[smem:$0x3FAF] =	sst s3  }
0xc: {  	[smem:$0x3FB0] =	sst s4  }
0xd: {  	[smem:$0x3FB1] =	sst s5  }
0xe: {  	[smem:$0x3FB2] =	sst s6  }
0xf: {  	[smem:$0x3FB3] =	sst s7  }
0x10: {  	[smem:$0x3FB4] =	sst s8  }
0x11: {  	[smem:$0x3FB5] =	sst s9;
	s0 =	simm.s32 @!p0 $0x0  }
0x12: {  	s1 =	sld [smem:$0x3F9B];
	s0 =	simm.s32 @p0 $0x1  }
0x13: {  	[smem:$0x3FB6] =	sst s0;
	s0 =	simm.s32 @!p1 $0x0  }
0x14: {  	s2 =	sld [smem:$0x3F9A];
	s0 =	simm.s32 @p1 $0x1  }
0x15: {  	[smem:$0x3FB7] =	sst s0;
	s0 =	simm.s32 @!p2 $0x0  }
0x16: {  	s3 =	sld [smem:$0x3FDB];
	s0 =	simm.s32 @p2 $0x1  }
0x17: {  	s4 =	simm.s32 $0x1BF5;
	[smem:$0x3FB9] =	sst s0  }
0x18: {  	s0 =	sld [smem:$0x3F9C];
	_ =	swait.ge [sflag:s4], $0x0  }
0x19: {  	s7 =	sld [smem:$0x3F9D]  }
0x1a: {  	s8 =	sadd.s32 $0xFFFFE003, lr  }
0x1b: {  	s9 =	sadd.s32 $0xFFFFFEF7, lr;
	s5 =	simm.s32 $0xFFFFFFFF;
	p2 =	slt.u32 s8, $0xFFFFF086  }
0x1c: {  	p1 =	slt.u32 s9, $0xF7A;
	s5 =	simm.s32 @!p2 $0x0  }
0x1d: {  	s5 =	simm.s32 @p1 $0x1;
	p0 =	seq.s32 s7, s2  }
0x1e: {  	s7 =	smul.u32 @!p0 $0xF7A, s2;
	p2 =	seq.s32 @!p0 s5, $0x0  }
0x1f: {  	s9 =	smul.u32 $0xF7A, s1;
	s8 =	simm.s32 @!p0 $0x1BF5;
	p2 =	por !p2, p0  }
0x20: {  	[sflag:s8] =	ssyncset.s32 @!p0 $0xFFFFF086;
	s6 =	sadd.s32 @!p0 s3, s7;
	s7 =	simm.s32 @!p0 $0x108  }
0x21: {  	s3 =	sadd.s32 s3, s9;
	s6 =	sadd.s32 @!p0 $0x88, s6;
	s7 =	simm.s32 @p2 $0x1082  }
0x22: {  	[simem:s7], [sflag:s8] =	dma.local @!p0 [hbm:s6], $0xF7A  }
0x23: {  	s9 =	sor.u32 $0xD0000000, s2;
	s6 =	simm.s32 $0x108;
	_ =	swait.ge @!p0 [sflag:s8], $0x0  }
0x24: {  	s3 =	sadd.s32 $0x88, s3;
	s6 =	simm.s32 @!p1 $0x1082;
	[sflag:s4] =	ssyncset.s32 $0xFFFFF086  }
0x25: {  	[simem:s6], [sflag:s4] =	dma.local [hbm:s3], $0xF7A  }
0x26: {  	[smem:$0x3F9D] =	sst s1;
	(tag) =	ssettag s2;
	_ =	strace s9  }
0x27: {  	s1 =	sld [smem:$0x3FAD]  }
0x28: {  	s2 =	sld [smem:$0x3FAE]  }
0x29: {  	s4 =	sld [smem:$0x3FB0]  }
0x2a: {  	p0 =	seq.s32 s5, $0x0;
	s5 =	sld [smem:$0x3FB1]  }
0x2b: {  	s6 =	sld [smem:$0x3FB2]  }
0x2c: {  	s7 =	sld [smem:$0x3FB3]  }
0x2d: {  	s3 =	simm.s32 $0x108;
	s8 =	sld [smem:$0x3FB4]  }
0x2e: {  	s3 =	simm.s32 @!p0 $0x1082;
	s9 =	sld [smem:$0x3FB5]  }
0x2f: {  	lr =	sadd.s32 s0, s3;
	s0 =	sld [smem:$0x3FAC]  }
0x30: {  	s3 =	sld [smem:$0x3FAF]  }
0x31: {  	[smem:$0x3FB8] =	sst s10  }
0x32: {  	s10 =	sld [smem:$0x3FB6];
	_ =	sdelay $0x3  }
0x33: {  	p0 =	seq.s32 s10, $0x1;
	s10 =	sld [smem:$0x3FB8];
	_ =	sdelay $0x3  }
0x34: {  	[smem:$0x3FB8] =	sst s10  }
0x35: {  	s10 =	sld [smem:$0x3FB7];
	_ =	sdelay $0x3  }
0x36: {  	p1 =	seq.s32 s10, $0x1;
	s10 =	sld [smem:$0x3FB8];
	_ =	sdelay $0x3  }
0x37: {  	[smem:$0x3FB8] =	sst s10  }
0x38: {  	s10 =	sld [smem:$0x3FB9]  }
0x39: {  	_ = 	snop;
	(pc) =	sbr.ind lr, $3  }
0x3a: {  	_ = 	snop  }
0x3b: {  	_ = 	snop  }
0x3c: {  	p2 =	seq.s32 s10, $0x1;
	s10 =	sld [smem:$0x3FB8]  }
0x3d: {  	_ =	shalt  }
0x3e: {  	_ =	shalt  }
0x3f: {  	_ =	shalt  }
0x40: {  	_ =	shalt  }
0x41: {  	_ =	shalt  }
0x42: {  	_ =	shalt  }
0x43: {  	_ =	shalt  }
0x44: {  	_ =	shalt  }
0x45: {  	_ =	shalt  }
0x46: {  	_ =	shalt  }
0x47: {  	_ =	shalt  }
0x48: {  	_ =	shalt  }
0x49: {  	_ =	shalt  }
0x4a: {  	_ =	shalt  }
0x4b: {  	_ =	shalt  }
0x4c: {  	_ =	shalt  }
0x4d: {  	_ =	shalt  }
0x4e: {  	_ =	shalt  }
0x4f: {  	_ =	shalt  }
0x50: {  	_ =	shalt  }
0x51: {  	_ =	shalt  }
0x52: {  	_ =	shalt  }
0x53: {  	_ =	shalt  }
0x54: {  	_ =	shalt  }
0x55: {  	_ =	shalt  }
0x56: {  	_ =	shalt  }
0x57: {  	_ =	shalt  }
0x58: {  	_ =	shalt  }
0x59: {  	_ =	shalt  }
0x5a: {  	_ =	shalt  }
0x5b: {  	_ =	shalt  }
0x5c: {  	_ =	shalt  }
0x5d: {  	_ =	shalt  }
0x5e: {  	_ =	shalt  }
0x5f: {  	_ =	shalt  }
0x60: {  	_ =	shalt  }
0x61: {  	_ =	shalt  }
0x62: {  	_ =	shalt  }
0x63: {  	_ =	shalt  }
0x64: {  	_ =	shalt  }
0x65: {  	_ =	shalt  }
0x66: {  	_ =	shalt  }
0x67: {  	_ =	shalt  }
0x68: {  	_ =	shalt  }
0x69: {  	_ =	shalt  }
0x6a: {  	_ =	shalt  }
0x6b: {  	_ =	shalt  }
0x6c: {  	_ =	shalt  }
0x6d: {  	_ =	shalt  }
0x6e: {  	_ =	shalt  }
0x6f: {  	_ =	shalt  }
0x70: {  	_ =	shalt  }
0x71: {  	_ =	shalt  }
0x72: {  	_ =	shalt  }
0x73: {  	_ =	shalt  }
0x74: {  	_ =	shalt  }
0x75: {  	_ =	shalt  }
0x76: {  	_ =	shalt  }
0x77: {  	_ =	shalt  }
0x78: {  	_ =	shalt  }
0x79: {  	_ =	shalt  }
0x7a: {  	_ =	shalt  }
0x7b: {  	_ =	shalt  }
0x7c: {  	_ =	shalt  }
0x7d: {  	_ =	shalt  }
0x7e: {  	_ =	shalt  }
0x7f: {  	_ =	shalt  }
0x80: {  	_ =	shalt  }
0x81: {  	_ =	shalt  }
0x82: {  	_ =	shalt  }
0x83: {  	_ =	shalt  }
0x84: {  	_ =	shalt  }
0x85: {  	_ =	shalt  }
0x86: {  	_ =	shalt  }
0x87: {  	_ =	shalt  }
.Lfunc_end0:
.L_simem_size_0:
called_computation_lowered:
.L_overlay_start_0:
0x88: {  	s2 =	sld [smem:$0x3FD9]  }
0x89: {  	s3 =	sld [smem:$0x3FFE];
	_ =	sdelay $0x1  }
0x8a: {  	s1 =	srdreg.scid  }
0x8b: {  	s0 =	sand.u32 $0x1, s1  }
0x8c: {  	s17 =	sshll.u32 s0, $0xA;
	s2 =	sadd.s32 s3, s2  }
0x8d: {  	s2 =	sadd.s32 s2, s17  }
0x8e: {  	[smem:$0x3FC4] =	sst s2  }
0x8f: {  	_ = 	snop  }
0x90: {  	s2 =	sld [smem:$0x3FC9]  }
0x91: {  	s18 =	sld [smem:$0x3FD0];
	(tm) =	ssettm $0x1  }
0x92: {  	s4 =	sld [smem:$0x3FFB];
	_ =	sdelay $0x3  }
0x93: {  	_ =	strace s4  }
0x94: {  	s4 =	sld [smem:$0x3FFC];
	_ =	sdelay $0x3  }
0x95: {  	_ =	strace s4  }
0x96: {  	s4 =	sld [smem:$0x3FFD];
	_ =	sdelay $0x3  }
0x97: {  	_ =	strace s4  }
0x98: {  	_ =	strace $0x8FFFFFFF  }
0x99: {  	s19 =	sld [smem:$0x3FDB];
	_ =	sdelay $0x1  }
0x9a: {  	s5 =	simm.s32 $_scs_section_size  }
0x9b: {  	s6 =	simm.s32 $_size__tile_overlayer_lowered;
	s7 =	simm.s32 $_tile_overlayer_lowered  }
0x9c: {  	s22 =	simm.s32 $0x1BFF;
	s21 =	sshll.u32 s7, $0x1;
	s4 =	sadd.s32 s5, s19  }
0x9d: {  	s8 =	simm.s32 $0x0;
	s20 =	sshll.u32 s6, $0x1;
	s6 =	sadd.s32 s21, s4  }
0x9e: {  	[timem:s8], [sflag:s22] =	dma.local [hbm:s6], s20  }
0x9f: {  	_ =	swait.ge [sflag:s22], s20  }
0xa0: {  	s5 =	ssub.s32 $0x0, s20;
	[sflag:s22] =	ssyncset.done $0x0  }
0xa1: {  	[sflag:s22] =	ssyncadd.s32 s5;
	_ =	sdelay $0x1  }
0xa2: {  	s23 =	simm.s32 $0x1B8B  }
0xa3: {  	_ =	swait.ge [sflag:s23], $0x1  }
0xa4: {  	[sflag:s23] =	ssyncset.done $0x0  }
0xa5: {  	s25 =	simm.s32 $0x1B8E;
	s24 =	sld [smem:$0x3FFE];
	[sflag:s23] =	ssyncadd.s32 $0xFFFFFFFF  }
0xa6: {  	s26 =	simm.s32 $execute0_lowered;
	[smem:$0x3FD2] =	sst s25  }
0xa7: {  	s6 =	sshll.u32 s26, $0x1;
	_ =	strace $0x80000046;
	[dreg:$0x1] =	wrdreg $0xFFFFFFFF  }
0xa8: {  	s28 =	simm.s32 $_size_execute0_lowered;
	s4 =	sadd.s32 s4, s6;
	[dreg:$0x0] =	wrdreg $0x0  }
0xa9: {  	s6 =	sshll.u32 s28, $0x1;
	[dreg:$0x2] =	wrdreg s4  }
0xaa: {  	[dreg:$0x3] =	wrdreg s6  }
0xab: {  	[dreg:$0x4] =	wrdreg $0xC0  }
0xac: {  	_ =	task [dreg:s8], $0x5FFFF  }
0xad: {  	[dreg:$0x1] =	wrdreg $0xFFFFFFFF  }
0xae: {  	[dreg:$0x0] =	wrdreg $0x60  }
0xaf: {  	[dreg:$0x2] =	wrdreg s24  }
0xb0: {  	[dreg:$0x3] =	wrdreg s18  }
0xb1: {  	[dreg:$0x4] =	wrdreg s2  }
0xb2: {  	[dreg:$0x5] =	wrdreg $0xA0A00  }
0xb3: {  	[dreg:$0x6] =	wrdreg $0x1E0A00  }
0xb4: {  	[dreg:$0x7] =	wrdreg $0x9  }
0xb5: {  	_ =	task.clear_ibuf [dreg:s8], $0x8FFFF;
	_ =	strace $0x90000046  }
0xb6: {  	s29 =	simm.s32 $0x9;
	_ =	strace $0x80000048  }
0xb7: {  	_ =	swait.ge [sflag:s29], $0x1  }
0xb8: {  	[sflag:s29] =	ssyncadd.s32 $0xFFFFFFFF  }
0xb9: {  	_ =	strace $0x90000048  }
0xba: {  	_ =	sfence  }
0xbb: {  	s30 =	sld [smem:$0x0];
	_ =	sdelay $0x2  }
0xbc: {  	s31 =	sshll.u32 s1, $0xD;
	s1 =	sshrl.u32 s1, $0x2  }
0xbd: {  	s3 =	sand.u32 $0x4000, s31;
	s1 =	sadd.s32 s1, s30  }
0xbe: {  	s0 =	sor.u32 s3, s0;
	s1 =	sshll.u32 s1, $0x11  }
0xbf: {  	s0 =	sor.u32 s1, s0  }
0xc0: {  	s0 =	sadd.s32 $0x8F2B, s0  }
0xc1: {  	[sflag:s0] =	ssyncadd.remote.s32 $0x1  }
0xc2: {  	_ =	sfence.sel $0xFFFF  }
0xc3: {  	[dreg:$0x0] =	wrdreg $0xFFFFFFFF;
	(pc) =	sbr.abs _section_cstart, $3  }
0xc4: {  	[dreg:$0x1] =	wrdreg $0xFFFFFFFF  }
0xc5: {  	_ =	task.clear_ibuf [dreg:s8], $0x2FFFF;
	_ =	strace $0x9FFFFFFF  }
0xc6: {  	(tm) =	ssettm $0x7FFFFFFF  }
0xc7: {  	_ =	shalt  }
tec
execute0_lowered:
.L_overlay_start_1:
0x0: {  	(tag) =	ssettag $0x1  }
0x1: {  	s0 =	srdreg.scid  }
0x2: {  	s1 =	rddreg [dreg:$0x0];
	s13 =	stileid.u32  }
0x3: {  	s5 =	rddreg [dreg:$0x1];
	s8 =	smul.u32 $0x14000, s13  }
0x4: {  	s4 =	rddreg [dreg:$0x4];
	s25 =	smul.u32 $0x1400, s13  }
0x5: {  	s10 =	simm.s32 $0x0;
	s0 =	sand.u32 $0x1, s0;
	s14 =	smul.u32 $0x5000, s13  }
0x6: {  	[smem:$0x7FF] =	sst s10;
	s12 =	sadd.s32 $0x600, s1;
	s7 =	smul.u32 $0x140000, s0  }
0x7: {  	s2 =	sshll.u32 s0, $0x4;
	s9 =	smul.u32 $0x14000, s0;
	s0 =	ssub.s32 $0x2, s0  }
0x8: {  	s3 =	sor.u32 s13, s2;
	s2 =	rddreg [dreg:$0x2];
	s26 =	sshrl.u32 s0, $0x1  }
0x9: {  	s17 =	sshrl.u32 s14, $0x2;
	s6 =	smul.u32 $0x4E2, s3;
	s3 =	rddreg [dreg:$0x3]  }
0xa: {  	_ =	strace $0x80000047;
	[dreg:$0x6] =	wrdreg s12;
	s7 =	sadd.s32 s8, s7  }
0xb: {  	s9 =	sadd.s32 s25, s9;
	s0 =	ssub.s32 s0, s26;
	s19 =	sadd.s32 s17, s4  }
0xc: {  	s7 =	sshrl.u32 s7, $0x3;
	s9 =	sshrl.u32 s9, $0x3;
	s0 =	smax.u32 s0, $0x1  }
0xd: {  	[dreg:$0xe] =	wrdreg s19;
	s11 =	sadd.s32 s6, s1;
	s7 =	sadd.s32 s7, s1  }
0xe: {  	s9 =	sadd.s32 s9, s1;
	s5 =	sadd.s32 s5, s6;
	[dreg:$0xc] =	wrdreg s0  }
0xf: {  	s1 =	sadd.s32 $0x650, s1;
	s6 =	smul.u32 $0x50000, s13;
	[dreg:$0x8] =	wrdreg s5  }
0x10: {  	s11 =	sadd.s32 $0x800, s11;
	[dreg:$0x9] =	wrdreg s1;
	s12 =	sadd.s32 $0xF600, s7  }
0x11: {  	s5 =	sadd.s32 s8, s3;
	s15 =	sadd.s32 $0xA600, s9;
	[dreg:$0x7] =	wrdreg s11  }
0x12: {  	s7 =	sadd.s32 s25, s4;
	s11 =	smul.u32 $0x280, s13;
	[dreg:$0xa] =	wrdreg s12  }
0x13: {  	[dreg:$0xb] =	wrdreg s15;
	s16 =	sshrl.u32 s6, $0x2;
	s30 =	sshrl.u32 s5, $0x3  }
0x14: {  	s31 =	sshrl.u32 s7, $0x3;
	s5 =	simm.s32 $0x9E20;
	s6 =	simm.s32 $0x4E20  }
0x15: {  	s7 =	simm.s32 $0x50;
	s0 =	sadd.s32 s16, s3;
	s18 =	sor.u32 $0x50, s11  }
0x16: {  	[dreg:$0xd] =	wrdreg s0;
	s22 =	sadd.s32 $0xA0, s11;
	s24 =	sadd.s32 $0xF0, s11  }
0x17: {  	s26 =	sadd.s32 $0x140, s11;
	s9 =	sadd.s32 $0x190, s11;
	s12 =	sadd.s32 $0x1E0, s11  }
0x18: {  	s15 =	sadd.s32 $0x230, s11;
	s11 =	simm.s32 $0x26C0;
	s20 =	sshll.u32 s18, $0x7  }
0x19: {  	s21 =	sshll.u32 s18, $0x3;
	s23 =	sshll.u32 s22, $0x7;
	s1 =	sshll.u32 s22, $0x3  }
0x1a: {  	s25 =	sshll.u32 s24, $0x7;
	s8 =	sshll.u32 s26, $0x3;
	s10 =	sshll.u32 s9, $0x7  }
0x1b: {  	s13 =	sshll.u32 s9, $0x3;
	s14 =	sshll.u32 s12, $0x7;
	s16 =	sshll.u32 s12, $0x3  }
0x1c: {  	s17 =	sshll.u32 s15, $0x7;
	s9 =	simm.s32 $0x2;
	s12 =	simm.s32 $0x0  }
0x1d: {  	s0 =	sadd.s32 s20, s3;
	s18 =	sadd.s32 s1, s4;
	s19 =	sadd.s32 s25, s3  }
0x1e: {  	s1 =	sshll.u32 s26, $0x7;
	s22 =	sadd.s32 s8, s4;
	s25 =	sadd.s32 s14, s3  }
0x1f: {  	s26 =	sadd.s32 s16, s4;
	s28 =	sadd.s32 s17, s3;
	s8 =	simm.s32 $0x7620  }
0x20: {  	[dreg:$0xf] =	wrdreg s0;
	s0 =	sadd.s32 s21, s4;
	s21 =	sadd.s32 s1, s3  }
0x21: {  	s1 =	simm.s32 $0x3;
	[dreg:$0x10] =	wrdreg s0;
	s0 =	sadd.s32 s23, s3  }
0x22: {  	s23 =	sadd.s32 s10, s3;
	[dreg:$0x11] =	wrdreg s0;
	s0 =	sshll.u32 s24, $0x3  }
0x23: {  	s10 =	simm.s32 $0x1;
	s20 =	sadd.s32 s0, s4;
	s0 =	sshll.u32 s15, $0x3  }
0x24: {  	v0 =	vimm.f32 $0.0e+00;
	s24 =	sadd.s32 s13, s4;
	s29 =	sadd.s32 s0, s4;
	s0 =	simm.s32 $0x2710  }
.LBB2_1:
0x25: {  	s13 =	simm.s32 $0x0;
	s14 =	rddreg [dreg:$0x7]  }
0x26: {  	[tilespmem:s13], [sflag:$0x3] =	stream.linear.gather [hbm4b:s14+s13], $0x2710, $0x38;
	[tilespmem:$0x1F4A0] =	vst v63  }
0x27: {  	_ =	swait.ge [sflag:s1], $0x2710  }
0x28: {  	[sflag:s1] =	ssyncset.done $0x0  }
0x29: {  	s17 =	rddreg [dreg:$0x8];
	[sflag:s1] =	ssyncadd.s32 $0xFFFFD8F0  }
0x2a: {  	[tilespmem:s0], [sflag:$0x3] =	stream.linear.gather [hbm4b:s17+s13], $0x2710, $0x38;
	[tilespmem:$0x1F4A0] =	vst v63  }
0x2b: {  	_ =	swait.ge [sflag:s1], $0x2710  }
0x2c: {  	[sflag:s1] =	ssyncset.done $0x0  }
0x2d: {  	s14 =	simm.s32 $0x200;
	s13 =	simm.s32 $0x0;
	[sflag:s1] =	ssyncadd.s32 $0xFFFFD8F0  }
.LBB2_2:
0x2e: {  	p0 =	sne.s32 s14, $0x9E00;
	[tilespmem:s13+$0x4E90] =	vst v0  }
0x2f: {  	[tilespmem:s13+$0x4E20] =	vst v0  }
0x30: {  	[tilespmem:s13+$0x4E30] =	vst v0  }
.Ltmp0:
0x31: {  	[tilespmem:s13+$0x4E40] =	vst v0;
	(pc) =	sbr.rel @p0 .LBB2_2-.Ltmp0, $4  }
0x32: {  	[tilespmem:s13+$0x4E50] =	vst v0  }
0x33: {  	[tilespmem:s13+$0x4E60] =	vst v0  }
0x34: {  	[tilespmem:s13+$0x4E70] =	vst v0  }
0x35: {  	[tilespmem:s13+$0x4E80] =	vst v0;
	s13 =	sshra.s32 s14, $0x2;
	s14 =	sadd.s32 $0x200, s14  }
0x36: {  	[tilespmem:s13+$0x4E90] =	vst v0  }
0x37: {  	[tilespmem:s13+$0x4E20] =	vst v0  }
0x38: {  	[tilespmem:s13+$0x4E30] =	vst v0  }
0x39: {  	[tilespmem:s13+$0x4E40] =	vst v0  }
0x3a: {  	[tilespmem:s13+$0x4E50] =	vst v0  }
0x3b: {  	[tilespmem:s13+$0x4E60] =	vst v0  }
0x3c: {  	[tilespmem:s13+$0x4E70] =	vst v0  }
0x3d: {  	[tilespmem:s13+$0x4E80] =	vst v0;
	s13 =	simm.s32 $0x0;
	s14 =	rddreg [dreg:$0x6]  }
0x3e: {  	[tilespmem:s5], [sflag:$0x3] =	stream.linear.gather [hbm4b:s14+s13], $0x280, $0x38;
	[tilespmem:$0x1F4A0] =	vst v63  }
0x3f: {  	_ =	swait.ge [sflag:s1], $0x280  }
0x40: {  	[sflag:s1] =	ssyncset.done $0x0  }
0x41: {  	s15 =	rddreg [dreg:$0xd];
	[sflag:s1] =	ssyncadd.s32 $0xFFFFFD80  }
0x42: {  	[spmem:s15] =	stream.linear.scatter [tilespmem:s6], [sflag:$0x3], $0x2800, $0x38;
	[tilespmem:$0x1F4A0] =	vst v63  }
0x43: {  	_ =	swait.ge [sflag:s1], $0x2800  }
0x44: {  	[sflag:s1] =	ssyncset.done $0x0  }
0x45: {  	s16 =	rddreg [dreg:$0xe];
	[sflag:s1] =	ssyncadd.s32 $0xFFFFD800  }
0x46: {  	[spmem:s16] =	stream.linear.scatter [tilespmem:s5], [sflag:$0x3], $0x280, $0x38;
	[tilespmem:$0x1F4A0] =	vst v63  }
0x47: {  	_ =	swait.ge [sflag:s1], $0x280  }
0x48: {  	[sflag:s1] =	ssyncset.done $0x0  }
0x49: {  	s17 =	rddreg [dreg:$0xf];
	[sflag:s1] =	ssyncadd.s32 $0xFFFFFD80  }
0x4a: {  	[spmem:s17] =	stream.linear.scatter [tilespmem:s6], [sflag:$0x3], $0x2800, $0x38;
	[tilespmem:$0x1F4A0] =	vst v63  }
0x4b: {  	_ =	swait.ge [sflag:s1], $0x2800  }
0x4c: {  	[sflag:s1] =	ssyncset.done $0x0  }
0x4d: {  	s15 =	rddreg [dreg:$0x10];
	[sflag:s1] =	ssyncadd.s32 $0xFFFFD800  }
0x4e: {  	[spmem:s15] =	stream.linear.scatter [tilespmem:s5], [sflag:$0x3], $0x280, $0x38;
	[tilespmem:$0x1F4A0] =	vst v63  }
0x4f: {  	_ =	swait.ge [sflag:s1], $0x280  }
0x50: {  	[sflag:s1] =	ssyncset.done $0x0  }
0x51: {  	s16 =	rddreg [dreg:$0x11];
	[sflag:s1] =	ssyncadd.s32 $0xFFFFFD80  }
0x52: {  	[spmem:s16] =	stream.linear.scatter [tilespmem:s6], [sflag:$0x3], $0x2800, $0x38;
	[tilespmem:$0x1F4A0] =	vst v63  }
0x53: {  	_ =	swait.ge [sflag:s1], $0x2800  }
0x54: {  	[sflag:s1] =	ssyncset.done $0x0  }
0x55: {  	[sflag:s1] =	ssyncadd.s32 $0xFFFFD800  }
0x56: {  	[spmem:s18] =	stream.linear.scatter [tilespmem:s5], [sflag:$0x3], $0x280, $0x38;
	[tilespmem:$0x1F4A0] =	vst v63  }
0x57: {  	_ =	swait.ge [sflag:s1], $0x280  }
0x58: {  	[sflag:s1] =	ssyncset.done $0x0  }
0x59: {  	[sflag:s1] =	ssyncadd.s32 $0xFFFFFD80  }
0x5a: {  	[spmem:s19] =	stream.linear.scatter [tilespmem:s6], [sflag:$0x3], $0x2800, $0x38;
	[tilespmem:$0x1F4A0] =	vst v63  }
0x5b: {  	_ =	swait.ge [sflag:s1], $0x2800  }
0x5c: {  	[sflag:s1] =	ssyncset.done $0x0  }
0x5d: {  	[sflag:s1] =	ssyncadd.s32 $0xFFFFD800  }
0x5e: {  	[spmem:s20] =	stream.linear.scatter [tilespmem:s5], [sflag:$0x3], $0x280, $0x38;
	[tilespmem:$0x1F4A0] =	vst v63  }
0x5f: {  	_ =	swait.ge [sflag:s1], $0x280  }
0x60: {  	[sflag:s1] =	ssyncset.done $0x0  }
0x61: {  	[sflag:s1] =	ssyncadd.s32 $0xFFFFFD80  }
0x62: {  	[spmem:s21] =	stream.linear.scatter [tilespmem:s6], [sflag:$0x3], $0x2800, $0x38;
	[tilespmem:$0x1F4A0] =	vst v63  }
0x63: {  	_ =	swait.ge [sflag:s1], $0x2800  }
0x64: {  	[sflag:s1] =	ssyncset.done $0x0  }
0x65: {  	[sflag:s1] =	ssyncadd.s32 $0xFFFFD800  }
0x66: {  	[spmem:s22] =	stream.linear.scatter [tilespmem:s5], [sflag:$0x3], $0x280, $0x38;
	[tilespmem:$0x1F4A0] =	vst v63  }
0x67: {  	_ =	swait.ge [sflag:s1], $0x280  }
0x68: {  	[sflag:s1] =	ssyncset.done $0x0  }
0x69: {  	[sflag:s1] =	ssyncadd.s32 $0xFFFFFD80  }
0x6a: {  	[spmem:s23] =	stream.linear.scatter [tilespmem:s6], [sflag:$0x3], $0x2800, $0x38;
	[tilespmem:$0x1F4A0] =	vst v63  }
0x6b: {  	_ =	swait.ge [sflag:s1], $0x2800  }
0x6c: {  	[sflag:s1] =	ssyncset.done $0x0  }
0x6d: {  	[sflag:s1] =	ssyncadd.s32 $0xFFFFD800  }
0x6e: {  	[spmem:s24] =	stream.linear.scatter [tilespmem:s5], [sflag:$0x3], $0x280, $0x38;
	[tilespmem:$0x1F4A0] =	vst v63  }
0x6f: {  	_ =	swait.ge [sflag:s1], $0x280  }
0x70: {  	[sflag:s1] =	ssyncset.done $0x0  }
0x71: {  	[sflag:s1] =	ssyncadd.s32 $0xFFFFFD80  }
0x72: {  	[spmem:s25] =	stream.linear.scatter [tilespmem:s6], [sflag:$0x3], $0x2800, $0x38;
	[tilespmem:$0x1F4A0] =	vst v63  }
0x73: {  	_ =	swait.ge [sflag:s1], $0x2800  }
0x74: {  	[sflag:s1] =	ssyncset.done $0x0  }
0x75: {  	[sflag:s1] =	ssyncadd.s32 $0xFFFFD800  }
0x76: {  	[spmem:s26] =	stream.linear.scatter [tilespmem:s5], [sflag:$0x3], $0x280, $0x38;
	[tilespmem:$0x1F4A0] =	vst v63  }
0x77: {  	_ =	swait.ge [sflag:s1], $0x280  }
0x78: {  	[sflag:s1] =	ssyncset.done $0x0  }
0x79: {  	[sflag:s1] =	ssyncadd.s32 $0xFFFFFD80  }
0x7a: {  	[spmem:s28] =	stream.linear.scatter [tilespmem:s6], [sflag:$0x3], $0x2800, $0x38;
	[tilespmem:$0x1F4A0] =	vst v63  }
0x7b: {  	_ =	swait.ge [sflag:s1], $0x2800  }
0x7c: {  	[sflag:s1] =	ssyncset.done $0x0  }
0x7d: {  	[sflag:s1] =	ssyncadd.s32 $0xFFFFD800  }
0x7e: {  	[spmem:s29] =	stream.linear.scatter [tilespmem:s5], [sflag:$0x3], $0x280, $0x38;
	[tilespmem:$0x1F4A0] =	vst v63  }
0x7f: {  	_ =	swait.ge [sflag:s1], $0x280  }
0x80: {  	[sflag:s1] =	ssyncset.done $0x0  }
0x81: {  	s17 =	rddreg [dreg:$0x9];
	[sflag:s1] =	ssyncadd.s32 $0xFFFFFD80  }
0x82: {  	[tilespmem:s5], [sflag:$0x3] =	stream.linear.gather [hbm4b:s17+s13], $0x280, $0x38;
	[tilespmem:$0x1F4A0] =	vst v63  }
0x83: {  	_ =	swait.ge [sflag:s1], $0x280  }
0x84: {  	[sflag:s1] =	ssyncset.done $0x0  }
0x85: {  	[sflag:s1] =	ssyncadd.s32 $0xFFFFFD80  }
0x86: {  	[tilespmem:s8], [sflag:$0x2] =	stream.indirect.gather [hbm4b:s2+s7], $0x80, s0, s7, $0xb8;
	[tilespmem:$0x1F4A0] =	vst v63  }
0x87: {  	s14 =	simm.s32 $0x2760;
	[bflag:$0x0] =	sbarrier.arrive $0xFFFF  }
0x88: {  	[tilespmem:s6], [sflag:$0x1] =	stream.indirect.gather [hbm4b:s2+s7], $0x80, s14, s7, $0xb8;
	[tilespmem:$0x1F4A0] =	vst v63  }
0x89: {  	_ =	swait.ge [sflag:s9], $0x2800  }
0x8a: {  	[sflag:s9] =	ssyncset.done $0x0  }
0x8b: {  	s15 =	simm.s32 $0x0;
	[sflag:s9] =	ssyncadd.s32 $0xFFFFD800  }
0x8c: {  	[spmem:s3] =	stream.indirect.scatter.add.f32 [tilespmem:s8], [sflag:$0x3], $0x80, s15, s7, $0xb8;
	[tilespmem:$0x1F4A0] =	vst v63  }
0x8d: {  	_ =	swait.ge [sflag:s1], $0x2800  }
0x8e: {  	[sflag:s1] =	ssyncset.done $0x0  }
0x8f: {  	[sflag:s1] =	ssyncadd.s32 $0xFFFFD800  }
0x90: {  	[spmem:s4] =	stream.indirect.scatter.add.f32 [tilespmem:s5], [sflag:$0x3], $0x8, s15, s7, $0xb8;
	[tilespmem:$0x1F4A0] =	vst v63  }
0x91: {  	_ =	swait.ge [sflag:s1], $0x280  }
0x92: {  	[sflag:s1] =	ssyncset.done $0x0  }
0x93: {  	s16 =	simm.s32 $0x27B0;
	[sflag:s1] =	ssyncadd.s32 $0xFFFFFD80  }
0x94: {  	[tilespmem:s8], [sflag:$0x2] =	stream.indirect.gather [hbm4b:s2+s7], $0x80, s16, s7, $0xb8;
	[tilespmem:$0x1F4A0] =	vst v63  }
0x95: {  	_ =	swait.ge [sflag:s10], $0x2800  }
0x96: {  	[sflag:s10] =	ssyncset.done $0x0  }
0x97: {  	s17 =	simm.s32 $0x50;
	[sflag:s10] =	ssyncadd.s32 $0xFFFFD800  }
0x98: {  	[spmem:s3] =	stream.indirect.scatter.add.f32 [tilespmem:s6], [sflag:$0x3], $0x80, s17, s7, $0xb8;
	[tilespmem:$0x1F4A0] =	vst v63  }
0x99: {  	_ =	swait.ge [sflag:s1], $0x2800  }
0x9a: {  	[sflag:s1] =	ssyncset.done $0x0  }
0x9b: {  	[sflag:s1] =	ssyncadd.s32 $0xFFFFD800  }
0x9c: {  	[spmem:s4] =	stream.indirect.scatter.add.f32 [tilespmem:s5], [sflag:$0x3], $0x8, s17, s7, $0xb8;
	[tilespmem:$0x1F4A0] =	vst v63  }
0x9d: {  	_ =	swait.ge [sflag:s1], $0x280  }
0x9e: {  	s13 =	simm.s32 $0xA0;
	s14 =	simm.s32 $0x500;
	[sflag:s1] =	ssyncset.done $0x0  }
.LBB2_4:
0x9f: {  	s15 =	sadd.s32 $0x2760, s13  }
0xa0: {  	[sflag:s1] =	ssyncadd.s32 $0xFFFFFD80;
	s16 =	smov.u32 s14;
	s17 =	sadd.s32 $0x280, s14  }
0xa1: {  	[tilespmem:s6], [sflag:$0x1] =	stream.indirect.gather [hbm4b:s2+s7], $0x80, s15, s7, $0xb8;
	[tilespmem:$0x1F4A0] =	vst v63  }
0xa2: {  	p0 =	sne.s32 s14, $0x9880;
	_ =	swait.ge [sflag:s9], $0x2800  }
0xa3: {  	[sflag:s9] =	ssyncset.done $0x0  }
0xa4: {  	[sflag:s9] =	ssyncadd.s32 $0xFFFFD800  }
0xa5: {  	[spmem:s3] =	stream.indirect.scatter.add.f32 [tilespmem:s8], [sflag:$0x3], $0x80, s13, s7, $0xb8;
	[tilespmem:$0x1F4A0] =	vst v63  }
0xa6: {  	_ =	swait.ge [sflag:s1], $0x2800  }
0xa7: {  	[sflag:s1] =	ssyncset.done $0x0  }
0xa8: {  	[sflag:s1] =	ssyncadd.s32 $0xFFFFD800  }
0xa9: {  	[spmem:s4] =	stream.indirect.scatter.add.f32 [tilespmem:s5], [sflag:$0x3], $0x8, s13, s7, $0xb8;
	[tilespmem:$0x1F4A0] =	vst v63  }
0xaa: {  	_ =	swait.ge [sflag:s1], $0x280  }
0xab: {  	[sflag:s1] =	ssyncset.done $0x0  }
0xac: {  	s14 =	sadd.s32 $0x27B0, s13;
	[sflag:s1] =	ssyncadd.s32 $0xFFFFFD80  }
0xad: {  	[tilespmem:s8], [sflag:$0x2] =	stream.indirect.gather [hbm4b:s2+s7], $0x80, s14, s7, $0xb8;
	[tilespmem:$0x1F4A0] =	vst v63  }
0xae: {  	_ =	swait.ge [sflag:s10], $0x2800  }
0xaf: {  	[sflag:s10] =	ssyncset.done $0x0  }
0xb0: {  	s13 =	sadd.s32 $0x50, s13;
	[sflag:s10] =	ssyncadd.s32 $0xFFFFD800  }
0xb1: {  	[spmem:s3] =	stream.indirect.scatter.add.f32 [tilespmem:s6], [sflag:$0x3], $0x80, s13, s7, $0xb8;
	[tilespmem:$0x1F4A0] =	vst v63  }
0xb2: {  	_ =	swait.ge [sflag:s1], $0x2800  }
.Ltmp1:
0xb3: {  	[sflag:s1] =	ssyncset.done $0x0;
	(pc) =	sbr.rel @p0 .LBB2_4-.Ltmp1, $4  }
0xb4: {  	[sflag:s1] =	ssyncadd.s32 $0xFFFFD800  }
0xb5: {  	[spmem:s4] =	stream.indirect.scatter.add.f32 [tilespmem:s5], [sflag:$0x3], $0x8, s13, s7, $0xb8;
	[tilespmem:$0x1F4A0] =	vst v63  }
0xb6: {  	_ =	swait.ge [sflag:s1], $0x280  }
0xb7: {  	s14 =	smov.u32 s17;
	s13 =	sshra.s32 s16, $0x2;
	[sflag:s1] =	ssyncset.done $0x0  }
0xb8: {  	s14 =	sadd.s32 $0x2760, s13;
	[sflag:s1] =	ssyncadd.s32 $0xFFFFFD80  }
0xb9: {  	[tilespmem:s6], [sflag:$0x1] =	stream.indirect.gather [hbm4b:s2+s7], $0x80, s14, s7, $0xb8;
	[tilespmem:$0x1F4A0] =	vst v63  }
0xba: {  	_ =	swait.ge [sflag:s9], $0x2800  }
0xbb: {  	[sflag:s9] =	ssyncset.done $0x0  }
0xbc: {  	[sflag:s9] =	ssyncadd.s32 $0xFFFFD800  }
0xbd: {  	[spmem:s3] =	stream.indirect.scatter.add.f32 [tilespmem:s8], [sflag:$0x3], $0x80, s13, s7, $0xb8;
	[tilespmem:$0x1F4A0] =	vst v63  }
0xbe: {  	_ =	swait.ge [sflag:s1], $0x2800  }
0xbf: {  	[sflag:s1] =	ssyncset.done $0x0  }
0xc0: {  	[sflag:s1] =	ssyncadd.s32 $0xFFFFD800  }
0xc1: {  	[spmem:s4] =	stream.indirect.scatter.add.f32 [tilespmem:s5], [sflag:$0x3], $0x8, s13, s7, $0xb8;
	[tilespmem:$0x1F4A0] =	vst v63  }
0xc2: {  	_ =	swait.ge [sflag:s1], $0x280  }
0xc3: {  	[sflag:s1] =	ssyncset.done $0x0  }
0xc4: {  	s16 =	sadd.s32 $0x27B0, s13;
	[sflag:s1] =	ssyncadd.s32 $0xFFFFFD80  }
0xc5: {  	[tilespmem:s8], [sflag:$0x2] =	stream.indirect.gather [hbm4b:s2+s7], $0x80, s16, s7, $0xb8;
	[tilespmem:$0x1F4A0] =	vst v63  }
0xc6: {  	_ =	swait.ge [sflag:s10], $0x2800  }
0xc7: {  	[sflag:s10] =	ssyncset.done $0x0  }
0xc8: {  	s17 =	sadd.s32 $0x50, s13;
	[sflag:s10] =	ssyncadd.s32 $0xFFFFD800  }
0xc9: {  	[spmem:s3] =	stream.indirect.scatter.add.f32 [tilespmem:s6], [sflag:$0x3], $0x80, s17, s7, $0xb8;
	[tilespmem:$0x1F4A0] =	vst v63  }
0xca: {  	_ =	swait.ge [sflag:s1], $0x2800  }
0xcb: {  	[sflag:s1] =	ssyncset.done $0x0  }
0xcc: {  	[sflag:s1] =	ssyncadd.s32 $0xFFFFD800  }
0xcd: {  	[spmem:s4] =	stream.indirect.scatter.add.f32 [tilespmem:s5], [sflag:$0x3], $0x8, s17, s7, $0xb8;
	[tilespmem:$0x1F4A0] =	vst v63  }
0xce: {  	_ =	swait.ge [sflag:s1], $0x280  }
0xcf: {  	[sflag:s1] =	ssyncset.done $0x0  }
0xd0: {  	[sflag:s1] =	ssyncadd.s32 $0xFFFFFD80  }
0xd1: {  	_ =	swait.ge [sflag:s9], $0x2800  }
0xd2: {  	[sflag:s9] =	ssyncset.done $0x0  }
0xd3: {  	[sflag:s9] =	ssyncadd.s32 $0xFFFFD800  }
0xd4: {  	[spmem:s3] =	stream.indirect.scatter.add.f32 [tilespmem:s8], [sflag:$0x3], $0x80, s11, s7, $0xb8;
	[tilespmem:$0x1F4A0] =	vst v63  }
0xd5: {  	_ =	swait.ge [sflag:s1], $0x2800  }
0xd6: {  	[sflag:s1] =	ssyncset.done $0x0  }
0xd7: {  	[sflag:s1] =	ssyncadd.s32 $0xFFFFD800  }
0xd8: {  	[spmem:s4] =	stream.indirect.scatter.add.f32 [tilespmem:s5], [sflag:$0x3], $0x8, s11, s7, $0xb8;
	[tilespmem:$0x1F4A0] =	vst v63  }
0xd9: {  	_ =	swait.ge [sflag:s1], $0x280  }
0xda: {  	[sflag:s1] =	ssyncset.done $0x0  }
0xdb: {  	s14 =	stileid.u32;
	[sflag:s1] =	ssyncadd.s32 $0xFFFFFD80  }
0xdc: {  	s13 =	sshll.u32 s14, $0x6;
	[bflag:$0x0] =	sbarrier.arrive $0xFFFF  }
0xdd: {  	s13 =	sor.u32 $0x1C03, s13;
	s15 =	rddreg [dreg:$0xa]  }
0xde: {  	[hbm:s15], [sflag:s13] =	dma.local [spmem:s30], $0x2800  }
0xdf: {  	_ =	swait.ge [sflag:s1], $0x2800  }
0xe0: {  	[sflag:s1] =	ssyncset.done $0x0  }
0xe1: {  	s16 =	rddreg [dreg:$0xb];
	[sflag:s1] =	ssyncadd.s32 $0xFFFFD800  }
0xe2: {  	[hbm:s16], [sflag:s13] =	dma.local [spmem:s31], $0x280  }
0xe3: {  	_ =	swait.ge [sflag:s1], $0x280  }
0xe4: {  	s12 =	sadd.s32 $0x1, s12;
	s17 =	rddreg [dreg:$0xc]  }
0xe5: {  	p0 =	sne.s32 s12, s17  }
.Ltmp2:
0xe6: {  	_ = 	snop;
	(pc) =	sbr.rel @p0 .LBB2_1-.Ltmp2, $3  }
0xe7: {  	_ =	sdelay $0x1  }
0xe8: {  	[sflag:s1] =	ssyncset.done $0x0  }
0xe9: {  	[sflag:s1] =	ssyncadd.s32 $0xFFFFFD80  }
0xea: {  	_ =	sfence.sel $0x180000  }
0xeb: {  	[bflag:$0x0] =	sbarrier.arrive $0xFFFF  }
0xec: {  	_ =	strace $0x90000047  }
0xed: {  	s0 =	stileid.u32;
	[bflag:$0x2] =	sbarrier.arrive $0xFFFF  }
0xee: {  	p0 =	sne.s32 s0, $0x0;
	s0 =	rddreg [dreg:$0x5]  }
0xef: {  	s0 =	sadd.s32 @!p0 $0x100000, s0  }
0xf0: {  	[sflag:s0] =	ssyncadd.tile.s32 @!p0 $0x1;
	_ =	shalt  }
.Lfunc_end2:
_tile_overlayer_lowered:
.L_overlay_start_2:
0xf1: {  	(tag) =	ssettag $0x2  }
0xf2: {  	s0 =	rddreg [dreg:$0x0];
	s2 =	stileid.u32  }
0xf3: {  	s1 =	rddreg [dreg:$0x1];
	p0 =	sne.s32 s2, $0x0  }
0xf4: {  	s3 =	rddreg [dreg:$0x2];
	[bflag:$0x3] =	sbarrier.arrive $0xFFFF;
	s2 =	simm.s32 @!p0 $0x1C03  }
0xf5: {  	[timem:s3], [sflag:s2] =	dma.local @!p0 [hbm:s0], s1  }
0xf6: {  	s0 =	simm.s32 @!p0 $0x3  }
0xf7: {  	_ =	swait.ge @!p0 [sflag:s0], s1  }
0xf8: {  	s1 =	ssub.s32 @!p0 $0x0, s1;
	[sflag:s0] =	ssyncset.done @!p0 $0x0  }
0xf9: {  	[sflag:s0] =	ssyncadd.s32 @!p0 s1  }
0xfa: {  	[bflag:$0x3] =	sbarrier.arrive $0xFFFF  }
0xfb: {  	_ =	shalt  }

</sc_bundles>
